<compile_context>
chip_gen: v7x
topology: tpu7x:2x2x1
jax: 0.10.2.dev20260603
libtpu: 0.0.44.dev20260713+nightly
codegen_flags: <defaults>
</compile_context>

<pallas_src>
import functools

import jax
import jax.numpy as jnp
from jax.experimental import pallas as pl

B = 16
N = 2048
MAX_NB = 64
NEG_INF = float("-inf")


def _fps_body(px_ref, py_ref, pz_ref, q1x_ref, q1y_ref, q1z_ref,
              q2x_ref, q2y_ref, q2z_ref):
    def run_fps(px, py, pz, n_s):
        n = px.shape[1]
        lane = jax.lax.broadcasted_iota(jnp.int32, (B, n), 1)
        qlane = jax.lax.broadcasted_iota(jnp.int32, (B, n_s), 1)
        dx = px - px[:, 0:1]
        dy = py - py[:, 0:1]
        dz = pz - pz[:, 0:1]
        d = (dx * dx + dy * dy) + dz * dz
        qx0 = jnp.broadcast_to(px[:, 0:1], (B, 1))

        def step(i, carry):
            d, ax, ay, az = carry
            m = jnp.max(d, axis=1, keepdims=True)
            cand = jnp.where(d == m, lane, n)
            nxt = jnp.min(cand, axis=1, keepdims=True)
            oh = (lane == nxt)
            qx = jnp.sum(jnp.where(oh, px, 0.0), axis=1, keepdims=True)
            qy = jnp.sum(jnp.where(oh, py, 0.0), axis=1, keepdims=True)
            qz = jnp.sum(jnp.where(oh, pz, 0.0), axis=1, keepdims=True)
            ddx = px - qx
            ddy = py - qy
            ddz = pz - qz
            dn = (ddx * ddx + ddy * ddy) + ddz * ddz
            d = jnp.minimum(d, dn)
            ohq = (qlane == i)
            ax = jnp.where(ohq, qx, ax)
            ay = jnp.where(ohq, qy, ay)
            az = jnp.where(ohq, qz, az)
            return d, ax, ay, az

        ax0 = jnp.broadcast_to(px[:, 0:1], (B, n_s))
        ay0 = jnp.broadcast_to(py[:, 0:1], (B, n_s))
        az0 = jnp.broadcast_to(pz[:, 0:1], (B, n_s))
        _, ax, ay, az = jax.lax.fori_loop(1, n_s, step, (d, ax0, ay0, az0))
        return ax, ay, az

    q1x, q1y, q1z = run_fps(px_ref[...], py_ref[...], pz_ref[...], N // 2)
    q1x_ref[...] = q1x
    q1y_ref[...] = q1y
    q1z_ref[...] = q1z
    q2x, q2y, q2z = run_fps(q1x, q1y, q1z, N // 8)
    q2x_ref[...] = q2x
    q2y_ref[...] = q2y
    q2z_ref[...] = q2z


def _fps_call(px, py, pz):
    M1, M2 = N // 2, N // 8
    f32 = jnp.float32
    outs = [jax.ShapeDtypeStruct((B, M1), f32)] * 3 + \
           [jax.ShapeDtypeStruct((B, M2), f32)] * 3
    return pl.pallas_call(_fps_body, out_shape=outs)(px, py, pz)


def _mlp_max_body(msg_ref, mask_ref, w1_ref, b1_ref, w2_ref, b2_ref,
                  w3_ref, b3_ref, out_ref, *, s_chunk, m):
    c = pl.program_id(1)
    nc = pl.num_programs(1)
    x = msg_ref[0]
    h = jnp.dot(x, w1_ref[...], preferred_element_type=jnp.float32) + b1_ref[...]
    h = jax.nn.relu(h)
    h = jnp.dot(h, w2_ref[...], preferred_element_type=jnp.float32) + b2_ref[...]
    h = jax.nn.relu(h)
    h = jnp.dot(h, w3_ref[...], preferred_element_type=jnp.float32) + b3_ref[...]
    mask = mask_ref[0, 0]
    h = jnp.where(mask[:, None] > 0.5, h, NEG_INF)
    part = h[0 * m:(0 + 1) * m]
    for s in range(1, s_chunk):
        part = jnp.maximum(part, h[s * m:(s + 1) * m])

    @pl.when(c == 0)
    def _():
        out_ref[0] = part

    @pl.when(c > 0)
    def _():
        out_ref[0] = jnp.maximum(out_ref[0], part)

    @pl.when(c == nc - 1)
    def _():
        o = out_ref[0]
        out_ref[0] = jnp.where(o == NEG_INF, 0.0, o)


def _mlp_max_call(msg, mask, params, m, s_chunk):
    (w1, b1), (w2, b2), (w3, b3) = params
    S = MAX_NB
    nc = S // s_chunk
    cin = msg.shape[-1]
    cout = w3.shape[1]
    body = functools.partial(_mlp_max_body, s_chunk=s_chunk, m=m)
    grid = (B, nc)
    mask3 = mask.reshape(B * nc, 1, s_chunk * m)
    return pl.pallas_call(
        body,
        grid=grid,
        in_specs=[
            pl.BlockSpec((1, s_chunk * m, cin), lambda b, c: (b, c, 0)),
            pl.BlockSpec((1, 1, s_chunk * m), lambda b, c: (b * nc + c, 0, 0)),
            pl.BlockSpec(w1.shape, lambda b, c: (0, 0)),
            pl.BlockSpec(b1.shape, lambda b, c: (0,)),
            pl.BlockSpec(w2.shape, lambda b, c: (0, 0)),
            pl.BlockSpec(b2.shape, lambda b, c: (0,)),
            pl.BlockSpec(w3.shape, lambda b, c: (0, 0)),
            pl.BlockSpec(b3.shape, lambda b, c: (0,)),
        ],
        out_specs=pl.BlockSpec((1, m, cout), lambda b, c: (b, 0, 0)),
        out_shape=jax.ShapeDtypeStruct((B, m, cout), jnp.float32),
    )(msg, mask3, w1, b1, w2, b2, w3, b3)


def _tail_body(x_ref, w31_ref, b31_ref, w32_ref, b32_ref, w33_ref, b33_ref,
               h1_ref, c1_ref, h2_ref, c2_ref, h3_ref, c3_ref, out_ref, *, m):
    x = x_ref[...]
    h = jnp.dot(x, w31_ref[...], preferred_element_type=jnp.float32) + b31_ref[...]
    h = jax.nn.relu(h)
    h = jnp.dot(h, w32_ref[...], preferred_element_type=jnp.float32) + b32_ref[...]
    h = jax.nn.relu(h)
    h = jnp.dot(h, w33_ref[...], preferred_element_type=jnp.float32) + b33_ref[...]
    g = jnp.concatenate(
        [jnp.max(h[b * m:(b + 1) * m], axis=0, keepdims=True) for b in range(B)],
        axis=0)
    g = jnp.dot(g, h1_ref[...], preferred_element_type=jnp.float32) + c1_ref[...]
    g = jax.nn.relu(g)
    g = jnp.dot(g, h2_ref[...], preferred_element_type=jnp.float32) + c2_ref[...]
    g = jax.nn.relu(g)
    g = jnp.dot(g, h3_ref[...], preferred_element_type=jnp.float32) + c3_ref[...]
    out_ref[...] = g


def _tail_call(x, sa3, head, m):
    (w31, b31), (w32, b32), (w33, b33) = sa3
    (h1, c1), (h2, c2), (h3, c3) = head
    body = functools.partial(_tail_body, m=m)
    return pl.pallas_call(
        body,
        out_shape=jax.ShapeDtypeStruct((B, h3.shape[1]), jnp.float32),
    )(x, w31, b31, w32, b32, w33, b33, h1, c1, h2, c2, h3, c3)


def _radius_topk(qx, qy, qz, px, py, pz, r):
    q = jnp.stack([qx, qy, qz], axis=-1)
    p = jnp.stack([px, py, pz], axis=-1)

    def one(qc, pc):
        d2 = (jnp.sum(qc ** 2, 1)[:, None] + jnp.sum(pc ** 2, 1)[None, :]
              - 2.0 * (qc @ pc.T))
        valid = d2 <= r * r
        score = jnp.where(valid, -d2, -jnp.inf)
        vals, nbr = jax.lax.top_k(score, MAX_NB)
        return nbr, vals > -jnp.inf

    return jax.vmap(one)(q, p)


def _build_msg(feat, px, py, pz, qx, qy, qz, nbr, mask):
    Bq, M, S = nbr.shape
    f_g = jnp.take_along_axis(feat[:, None], nbr[..., None], axis=2)
    p = jnp.stack([px, py, pz], axis=-1)
    p_g = jnp.take_along_axis(p[:, None], nbr[..., None], axis=2)
    q = jnp.stack([qx, qy, qz], axis=-1)
    rel = p_g - q[:, :, None, :]
    msg = jnp.concatenate([f_g, rel], axis=-1)
    msg = msg.transpose(0, 2, 1, 3).reshape(Bq, S * M, -1)
    maskf = mask.astype(jnp.float32).transpose(0, 2, 1).reshape(Bq, S * M)
    return msg, maskf


def kernel(x, pos, batch, sa1, sa2, sa3, head):
    del batch
    posb = pos.reshape(B, N, 3)
    xb = x.reshape(B, N, 3)
    px, py, pz = posb[..., 0], posb[..., 1], posb[..., 2]

    q1x, q1y, q1z, q2x, q2y, q2z = _fps_call(px, py, pz)
    M1, M2 = N // 2, N // 8

    nbr1, mask1 = _radius_topk(q1x, q1y, q1z, px, py, pz, 0.2)
    msg1, maskf1 = _build_msg(xb, px, py, pz, q1x, q1y, q1z, nbr1, mask1)
    x1 = _mlp_max_call(msg1, maskf1, sa1, M1, s_chunk=8)

    nbr2, mask2 = _radius_topk(q2x, q2y, q2z, q1x, q1y, q1z, 0.4)
    msg2, maskf2 = _build_msg(x1, q1x, q1y, q1z, q2x, q2y, q2z, nbr2, mask2)
    x2 = _mlp_max_call(msg2, maskf2, sa2, M2, s_chunk=16)

    q2 = jnp.stack([q2x, q2y, q2z], axis=-1)
    tail_in = jnp.concatenate([x2, q2], axis=-1).reshape(B * M2, 259)
    return _tail_call(tail_in, sa3, head, M2)

# --- scband reference (transcript-rebuilt; emitter-appended) ---
"""Pipeline reference for scband-point-net2-class-28123445854328 (READ-ONLY COPY).

The authoritative reference and input builder live on the scoring server;
editing this copy changes nothing except your own understanding.
"""

import jax, jax.numpy as jnp
import numpy as np

B = 16
N = 2048
MAX_NB = 64


def init_mlp(key, dims):
    params = []
    for i in range(len(dims) - 1):
        key, k = jax.random.split(key)
        W = jax.random.normal(k, (dims[i], dims[i + 1]), jnp.float32) / np.sqrt(dims[i])
        b = jnp.zeros((dims[i + 1],), jnp.float32)
        params.append((W, b))
    return params


def mlp_apply(params, x):
    # PyG-style MLP with plain last layer (no act on last); BN treated as identity (eval), dropout skipped (eval)
    n = len(params)
    for i, (W, b) in enumerate(params):
        x = x @ W + b
        if i < n - 1:
            x = jax.nn.relu(x)
    return x


def fps_single(pos, n_samples):
    # farthest point sampling, deterministic start at index 0
    pos = jax.lax.stop_gradient(pos)
    d0 = jnp.sum((pos - pos[0]) ** 2, axis=1)

    def step(d, _):
        nxt = jnp.argmax(d).astype(jnp.int32)
        d = jnp.minimum(d, jnp.sum((pos - pos[nxt]) ** 2, axis=1))
        return d, nxt

    _, nxts = jax.lax.scan(step, d0, None, length=n_samples - 1)
    idxs = jnp.concatenate([jnp.zeros((1,), jnp.int32), nxts])
    return idxs


def radius_neighbors(pos_q, pos, r, max_nb):
    d2 = (jnp.sum(pos_q ** 2, 1)[:, None] + jnp.sum(pos ** 2, 1)[None, :] - 2.0 * (pos_q @ pos.T))
    valid = d2 <= r * r
    score = jax.lax.stop_gradient(jnp.where(valid, -d2, -jnp.inf))
    vals, nbr = jax.lax.top_k(score, max_nb)  # nearest max_nb within radius
    mask = vals > -jnp.inf
    return nbr, mask


def sa_single(x, pos, ratio, r, params):
    n_s = int(round(pos.shape[0] * ratio))
    idx = fps_single(pos, n_s)
    pos_q = pos[idx]
    nbr, mask = radius_neighbors(pos_q, pos, r, MAX_NB)  # [M, 64]
    msg = jnp.concatenate([x[nbr], pos[nbr] - pos_q[:, None, :]], axis=-1)  # PointConv message
    h = mlp_apply(params, msg)
    h = jnp.where(mask[:, :, None], h, -jnp.inf)
    out = jnp.max(h, axis=1)  # max aggregation
    out = jnp.where(jnp.isfinite(out), out, 0.0)
    return out, pos_q


def pointnet2_forward(x, pos, sa1, sa2, sa3, head):
    xb = x.reshape(B, N, -1)
    posb = pos.reshape(B, N, 3)
    x1, pos1 = jax.vmap(lambda a, p: sa_single(a, p, 0.5, 0.2, sa1))(xb, posb)
    x2, pos2 = jax.vmap(lambda a, p: sa_single(a, p, 0.25, 0.4, sa2))(x1, pos1)
    h = mlp_apply(sa3, jnp.concatenate([x2, pos2], axis=-1))
    g = jnp.max(h, axis=1)  # global_max_pool per cloud
    out = mlp_apply(head, g)  # final MLP; dropout off in eval
    return out


def setup_inputs(seed: int = 0):
    key = jax.random.key(seed)
    ks = jax.random.split(key, 6)
    pos = jax.random.uniform(ks[0], (B * N, 3), jnp.float32)
    x = jax.random.normal(ks[1], (B * N, 3), jnp.float32)
    batch = jnp.repeat(jnp.arange(B, dtype=jnp.int32), N)
    sa1 = init_mlp(ks[2], [6, 64, 64, 128])
    sa2 = init_mlp(ks[3], [131, 128, 128, 256])
    sa3 = init_mlp(ks[4], [259, 256, 512, 1024])
    head = init_mlp(ks[5], [1024, 512, 256, 7])
    return {"x": x, "pos": pos, "batch": batch, "sa1": sa1, "sa2": sa2, "sa3": sa3, "head": head}


def reference(x, pos, batch, sa1, sa2, sa3, head):
    del batch  # clouds are balanced; batch structure realized via reshape to [B, N]
    return pointnet2_forward(x, pos, sa1, sa2, sa3, head)

if __name__ == "__main__":
    import jax
    _d = setup_inputs()
    print(jax.jit(kernel)(*tuple(_d.values())))

</pallas_src>

<mosaic_0001>
module attributes {stable_mosaic.version = 14 : i64} {
  func.func @_fps_body(%arg0: memref<16x2048xf32, #tpu.memory_space<vmem>>, %arg1: memref<16x2048xf32, #tpu.memory_space<vmem>>, %arg2: memref<16x2048xf32, #tpu.memory_space<vmem>>, %arg3: memref<16x1024xf32, #tpu.memory_space<vmem>>, %arg4: memref<16x1024xf32, #tpu.memory_space<vmem>>, %arg5: memref<16x1024xf32, #tpu.memory_space<vmem>>, %arg6: memref<16x256xf32, #tpu.memory_space<vmem>>, %arg7: memref<16x256xf32, #tpu.memory_space<vmem>>, %arg8: memref<16x256xf32, #tpu.memory_space<vmem>>) attributes {dimension_semantics = [], scalar_prefetch = 0 : i64, scratch_operands = 0 : i64, tpu.core_type = #tpu.core_type<tc>} {
    %get3A = arith.constant 0 : index
    %get3A_0 = arith.constant 0 : index
    %get3A_1 = vector.load %arg0[%get3A, %get3A_0] : memref<16x2048xf32, #tpu.memory_space<vmem>>, vector<16x2048xf32>
    %get3A_2 = arith.constant 0 : index
    %get3A_3 = arith.constant 0 : index
    %get3A_4 = vector.load %arg1[%get3A_2, %get3A_3] : memref<16x2048xf32, #tpu.memory_space<vmem>>, vector<16x2048xf32>
    %get3A_5 = arith.constant 0 : index
    %get3A_6 = arith.constant 0 : index
    %get3A_7 = vector.load %arg2[%get3A_5, %get3A_6] : memref<16x2048xf32, #tpu.memory_space<vmem>>, vector<16x2048xf32>
    %iota3A = tpu.iota {dimensions = array<i32: 1>} : vector<16x2048xi32>
    %iota3A_8 = tpu.iota {dimensions = array<i32: 1>} : vector<16x1024xi32>
    %slice3A = vector.extract_strided_slice %get3A_1 {offsets = [0, 0], sizes = [16, 1], strides = [1, 1]} : vector<16x2048xf32> to vector<16x1xf32>
    %sub3A = vector.broadcast %slice3A : vector<16x1xf32> to vector<16x2048xf32>
    %sub3A_9 = arith.subf %get3A_1, %sub3A : vector<16x2048xf32>
    %slice3A_10 = vector.extract_strided_slice %get3A_4 {offsets = [0, 0], sizes = [16, 1], strides = [1, 1]} : vector<16x2048xf32> to vector<16x1xf32>
    %sub3A_11 = vector.broadcast %slice3A_10 : vector<16x1xf32> to vector<16x2048xf32>
    %sub3A_12 = arith.subf %get3A_4, %sub3A_11 : vector<16x2048xf32>
    %slice3A_13 = vector.extract_strided_slice %get3A_7 {offsets = [0, 0], sizes = [16, 1], strides = [1, 1]} : vector<16x2048xf32> to vector<16x1xf32>
    %sub3A_14 = vector.broadcast %slice3A_13 : vector<16x1xf32> to vector<16x2048xf32>
    %sub3A_15 = arith.subf %get3A_7, %sub3A_14 : vector<16x2048xf32>
    %mul3A = arith.mulf %sub3A_9, %sub3A_9 : vector<16x2048xf32>
    %mul3A_16 = arith.mulf %sub3A_12, %sub3A_12 : vector<16x2048xf32>
    %add3A = arith.addf %mul3A, %mul3A_16 : vector<16x2048xf32>
    %mul3A_17 = arith.mulf %sub3A_15, %sub3A_15 : vector<16x2048xf32>
    %add3A_18 = arith.addf %add3A, %mul3A_17 : vector<16x2048xf32>
    %slice3A_19 = vector.extract_strided_slice %get3A_1 {offsets = [0, 0], sizes = [16, 1], strides = [1, 1]} : vector<16x2048xf32> to vector<16x1xf32>
    %broadcast_in_dim3A = vector.shape_cast %slice3A_19 : vector<16x1xf32> to vector<16x1xf32>
    %broadcast_in_dim3A_20 = vector.broadcast %broadcast_in_dim3A : vector<16x1xf32> to vector<16x1024xf32>
    %slice3A_21 = vector.extract_strided_slice %get3A_4 {offsets = [0, 0], sizes = [16, 1], strides = [1, 1]} : vector<16x2048xf32> to vector<16x1xf32>
    %broadcast_in_dim3A_22 = vector.shape_cast %slice3A_21 : vector<16x1xf32> to vector<16x1xf32>
    %broadcast_in_dim3A_23 = vector.broadcast %broadcast_in_dim3A_22 : vector<16x1xf32> to vector<16x1024xf32>
    %slice3A_24 = vector.extract_strided_slice %get3A_7 {offsets = [0, 0], sizes = [16, 1], strides = [1, 1]} : vector<16x2048xf32> to vector<16x1xf32>
    %broadcast_in_dim3A_25 = vector.shape_cast %slice3A_24 : vector<16x1xf32> to vector<16x1xf32>
    %broadcast_in_dim3A_26 = vector.broadcast %broadcast_in_dim3A_25 : vector<16x1xf32> to vector<16x1024xf32>
    %scan3A = arith.constant 1 : i32
    %scan3A_27 = arith.constant 1023 : i32
    %scan3A_28 = arith.addi %scan3A, %scan3A_27 : i32
    %scan3A_29 = arith.constant 1 : i32
    %scan3A_30:4 = scf.for %scan3A_80 = %scan3A to %scan3A_28 step %scan3A_29 iter_args(%scan3A_81 = %add3A_18, %scan3A_82 = %broadcast_in_dim3A_20, %scan3A_83 = %broadcast_in_dim3A_23, %scan3A_84 = %broadcast_in_dim3A_26) -> (vector<16x2048xf32>, vector<16x1024xf32>, vector<16x1024xf32>, vector<16x1024xf32>)  : i32 {
      %reduce_max3A = arith.constant dense<0xFF800000> : vector<16xf32>
      %reduce_max3A_85 = vector.multi_reduction <maximumf>, %scan3A_81, %reduce_max3A [1] : vector<16x2048xf32> to vector<16xf32>
      %broadcast_in_dim3A_86 = vector.shape_cast %reduce_max3A_85 : vector<16xf32> to vector<16x1xf32>
      %eq3A = vector.broadcast %broadcast_in_dim3A_86 : vector<16x1xf32> to vector<16x2048xf32>
      %eq3A_87 = arith.cmpf oeq, %scan3A_81, %eq3A : vector<16x2048xf32>
      %jit3A = arith.constant 2048 : i32
      %broadcast_in_dim3A_88 = vector.broadcast %jit3A : i32 to vector<16x2048xi32>
      %select_n3A = arith.select %eq3A_87, %iota3A, %broadcast_in_dim3A_88 : vector<16x2048xi1>, vector<16x2048xi32>
      %reduce_min3A = arith.constant dense<2147483647> : vector<16xi32>
      %reduce_min3A_89 = vector.multi_reduction <minsi>, %select_n3A, %reduce_min3A [1] : vector<16x2048xi32> to vector<16xi32>
      %broadcast_in_dim3A_90 = vector.shape_cast %reduce_min3A_89 : vector<16xi32> to vector<16x1xi32>
      %eq3A_91 = vector.broadcast %broadcast_in_dim3A_90 : vector<16x1xi32> to vector<16x2048xi32>
      %eq3A_92 = arith.cmpi eq, %iota3A, %eq3A_91 : vector<16x2048xi32>
      %jit3A_93 = arith.constant 0.000000e+00 : f32
      %broadcast_in_dim3A_94 = vector.broadcast %jit3A_93 : f32 to vector<16x2048xf32>
      %select_n3A_95 = arith.select %eq3A_92, %get3A_1, %broadcast_in_dim3A_94 : vector<16x2048xi1>, vector<16x2048xf32>
      %reduce_sum3A = arith.constant dense<0.000000e+00> : vector<16xf32>
      %reduce_sum3A_96 = vector.multi_reduction <add>, %select_n3A_95, %reduce_sum3A [1] : vector<16x2048xf32> to vector<16xf32>
      %broadcast_in_dim3A_97 = vector.shape_cast %reduce_sum3A_96 : vector<16xf32> to vector<16x1xf32>
      %jit3A_98 = arith.constant 0.000000e+00 : f32
      %broadcast_in_dim3A_99 = vector.broadcast %jit3A_98 : f32 to vector<16x2048xf32>
      %select_n3A_100 = arith.select %eq3A_92, %get3A_4, %broadcast_in_dim3A_99 : vector<16x2048xi1>, vector<16x2048xf32>
      %reduce_sum3A_101 = arith.constant dense<0.000000e+00> : vector<16xf32>
      %reduce_sum3A_102 = vector.multi_reduction <add>, %select_n3A_100, %reduce_sum3A_101 [1] : vector<16x2048xf32> to vector<16xf32>
      %broadcast_in_dim3A_103 = vector.shape_cast %reduce_sum3A_102 : vector<16xf32> to vector<16x1xf32>
      %jit3A_104 = arith.constant 0.000000e+00 : f32
      %broadcast_in_dim3A_105 = vector.broadcast %jit3A_104 : f32 to vector<16x2048xf32>
      %select_n3A_106 = arith.select %eq3A_92, %get3A_7, %broadcast_in_dim3A_105 : vector<16x2048xi1>, vector<16x2048xf32>
      %reduce_sum3A_107 = arith.constant dense<0.000000e+00> : vector<16xf32>
      %reduce_sum3A_108 = vector.multi_reduction <add>, %select_n3A_106, %reduce_sum3A_107 [1] : vector<16x2048xf32> to vector<16xf32>
      %broadcast_in_dim3A_109 = vector.shape_cast %reduce_sum3A_108 : vector<16xf32> to vector<16x1xf32>
      %sub3A_110 = vector.broadcast %broadcast_in_dim3A_97 : vector<16x1xf32> to vector<16x2048xf32>
      %sub3A_111 = arith.subf %get3A_1, %sub3A_110 : vector<16x2048xf32>
      %sub3A_112 = vector.broadcast %broadcast_in_dim3A_103 : vector<16x1xf32> to vector<16x2048xf32>
      %sub3A_113 = arith.subf %get3A_4, %sub3A_112 : vector<16x2048xf32>
      %sub3A_114 = vector.broadcast %broadcast_in_dim3A_109 : vector<16x1xf32> to vector<16x2048xf32>
      %sub3A_115 = arith.subf %get3A_7, %sub3A_114 : vector<16x2048xf32>
      %mul3A_116 = arith.mulf %sub3A_111, %sub3A_111 : vector<16x2048xf32>
      %mul3A_117 = arith.mulf %sub3A_113, %sub3A_113 : vector<16x2048xf32>
      %add3A_118 = arith.addf %mul3A_116, %mul3A_117 : vector<16x2048xf32>
      %mul3A_119 = arith.mulf %sub3A_115, %sub3A_115 : vector<16x2048xf32>
      %add3A_120 = arith.addf %add3A_118, %mul3A_119 : vector<16x2048xf32>
      %min3A = arith.minimumf %scan3A_81, %add3A_120 : vector<16x2048xf32>
      %eq3A_121 = vector.broadcast %scan3A_80 : i32 to vector<16x1024xi32>
      %eq3A_122 = arith.cmpi eq, %iota3A_8, %eq3A_121 : vector<16x1024xi32>
      %broadcast_in_dim3A_123 = vector.shape_cast %broadcast_in_dim3A_97 : vector<16x1xf32> to vector<16x1xf32>
      %broadcast_in_dim3A_124 = vector.broadcast %broadcast_in_dim3A_123 : vector<16x1xf32> to vector<16x1024xf32>
      %select_n3A_125 = arith.select %eq3A_122, %broadcast_in_dim3A_124, %scan3A_82 : vector<16x1024xi1>, vector<16x1024xf32>
      %broadcast_in_dim3A_126 = vector.shape_cast %broadcast_in_dim3A_103 : vector<16x1xf32> to vector<16x1xf32>
      %broadcast_in_dim3A_127 = vector.broadcast %broadcast_in_dim3A_126 : vector<16x1xf32> to vector<16x1024xf32>
      %select_n3A_128 = arith.select %eq3A_122, %broadcast_in_dim3A_127, %scan3A_83 : vector<16x1024xi1>, vector<16x1024xf32>
      %broadcast_in_dim3A_129 = vector.shape_cast %broadcast_in_dim3A_109 : vector<16x1xf32> to vector<16x1xf32>
      %broadcast_in_dim3A_130 = vector.broadcast %broadcast_in_dim3A_129 : vector<16x1xf32> to vector<16x1024xf32>
      %select_n3A_131 = arith.select %eq3A_122, %broadcast_in_dim3A_130, %scan3A_84 : vector<16x1024xi1>, vector<16x1024xf32>
      scf.yield %min3A, %select_n3A_125, %select_n3A_128, %select_n3A_131 : vector<16x2048xf32>, vector<16x1024xf32>, vector<16x1024xf32>, vector<16x1024xf32>
    }
    %scan3A_31 = arith.constant 1023 : i32
    %swap3A = arith.constant 0 : index
    %swap3A_32 = arith.constant 0 : index
    %swap3A_33 = vector.load %arg3[%swap3A, %swap3A_32] : memref<16x1024xf32, #tpu.memory_space<vmem>>, vector<16x1024xf32>
    tpu.vector_store %arg3[%swap3A, %swap3A_32], %scan3A_30#1 {strides = array<i32>} : memref<16x1024xf32, #tpu.memory_space<vmem>>, vector<16x1024xf32>,
    %swap3A_34 = arith.constant 0 : index
    %swap3A_35 = arith.constant 0 : index
    %swap3A_36 = vector.load %arg4[%swap3A_34, %swap3A_35] : memref<16x1024xf32, #tpu.memory_space<vmem>>, vector<16x1024xf32>
    tpu.vector_store %arg4[%swap3A_34, %swap3A_35], %scan3A_30#2 {strides = array<i32>} : memref<16x1024xf32, #tpu.memory_space<vmem>>, vector<16x1024xf32>,
    %swap3A_37 = arith.constant 0 : index
    %swap3A_38 = arith.constant 0 : index
    %swap3A_39 = vector.load %arg5[%swap3A_37, %swap3A_38] : memref<16x1024xf32, #tpu.memory_space<vmem>>, vector<16x1024xf32>
    tpu.vector_store %arg5[%swap3A_37, %swap3A_38], %scan3A_30#3 {strides = array<i32>} : memref<16x1024xf32, #tpu.memory_space<vmem>>, vector<16x1024xf32>,
    %iota3A_40 = tpu.iota {dimensions = array<i32: 1>} : vector<16x1024xi32>
    %iota3A_41 = tpu.iota {dimensions = array<i32: 1>} : vector<16x256xi32>
    %slice3A_42 = vector.extract_strided_slice %scan3A_30#1 {offsets = [0, 0], sizes = [16, 1], strides = [1, 1]} : vector<16x1024xf32> to vector<16x1xf32>
    %sub3A_43 = vector.broadcast %slice3A_42 : vector<16x1xf32> to vector<16x1024xf32>
    %sub3A_44 = arith.subf %scan3A_30#1, %sub3A_43 : vector<16x1024xf32>
    %slice3A_45 = vector.extract_strided_slice %scan3A_30#2 {offsets = [0, 0], sizes = [16, 1], strides = [1, 1]} : vector<16x1024xf32> to vector<16x1xf32>
    %sub3A_46 = vector.broadcast %slice3A_45 : vector<16x1xf32> to vector<16x1024xf32>
    %sub3A_47 = arith.subf %scan3A_30#2, %sub3A_46 : vector<16x1024xf32>
    %slice3A_48 = vector.extract_strided_slice %scan3A_30#3 {offsets = [0, 0], sizes = [16, 1], strides = [1, 1]} : vector<16x1024xf32> to vector<16x1xf32>
    %sub3A_49 = vector.broadcast %slice3A_48 : vector<16x1xf32> to vector<16x1024xf32>
    %sub3A_50 = arith.subf %scan3A_30#3, %sub3A_49 : vector<16x1024xf32>
    %mul3A_51 = arith.mulf %sub3A_44, %sub3A_44 : vector<16x1024xf32>
    %mul3A_52 = arith.mulf %sub3A_47, %sub3A_47 : vector<16x1024xf32>
    %add3A_53 = arith.addf %mul3A_51, %mul3A_52 : vector<16x1024xf32>
    %mul3A_54 = arith.mulf %sub3A_50, %sub3A_50 : vector<16x1024xf32>
    %add3A_55 = arith.addf %add3A_53, %mul3A_54 : vector<16x1024xf32>
    %slice3A_56 = vector.extract_strided_slice %scan3A_30#1 {offsets = [0, 0], sizes = [16, 1], strides = [1, 1]} : vector<16x1024xf32> to vector<16x1xf32>
    %broadcast_in_dim3A_57 = vector.shape_cast %slice3A_56 : vector<16x1xf32> to vector<16x1xf32>
    %broadcast_in_dim3A_58 = vector.broadcast %broadcast_in_dim3A_57 : vector<16x1xf32> to vector<16x256xf32>
    %slice3A_59 = vector.extract_strided_slice %scan3A_30#2 {offsets = [0, 0], sizes = [16, 1], strides = [1, 1]} : vector<16x1024xf32> to vector<16x1xf32>
    %broadcast_in_dim3A_60 = vector.shape_cast %slice3A_59 : vector<16x1xf32> to vector<16x1xf32>
    %broadcast_in_dim3A_61 = vector.broadcast %broadcast_in_dim3A_60 : vector<16x1xf32> to vector<16x256xf32>
    %slice3A_62 = vector.extract_strided_slice %scan3A_30#3 {offsets = [0, 0], sizes = [16, 1], strides = [1, 1]} : vector<16x1024xf32> to vector<16x1xf32>
    %broadcast_in_dim3A_63 = vector.shape_cast %slice3A_62 : vector<16x1xf32> to vector<16x1xf32>
    %broadcast_in_dim3A_64 = vector.broadcast %broadcast_in_dim3A_63 : vector<16x1xf32> to vector<16x256xf32>
    %scan3A_65 = arith.constant 1 : i32
    %scan3A_66 = arith.constant 255 : i32
    %scan3A_67 = arith.addi %scan3A_65, %scan3A_66 : i32
    %scan3A_68 = arith.constant 1 : i32
    %scan3A_69:4 = scf.for %scan3A_80 = %scan3A_65 to %scan3A_67 step %scan3A_68 iter_args(%scan3A_81 = %add3A_55, %scan3A_82 = %broadcast_in_dim3A_58, %scan3A_83 = %broadcast_in_dim3A_61, %scan3A_84 = %broadcast_in_dim3A_64) -> (vector<16x1024xf32>, vector<16x256xf32>, vector<16x256xf32>, vector<16x256xf32>)  : i32 {
      %reduce_max3A = arith.constant dense<0xFF800000> : vector<16xf32>
      %reduce_max3A_85 = vector.multi_reduction <maximumf>, %scan3A_81, %reduce_max3A [1] : vector<16x1024xf32> to vector<16xf32>
      %broadcast_in_dim3A_86 = vector.shape_cast %reduce_max3A_85 : vector<16xf32> to vector<16x1xf32>
      %eq3A = vector.broadcast %broadcast_in_dim3A_86 : vector<16x1xf32> to vector<16x1024xf32>
      %eq3A_87 = arith.cmpf oeq, %scan3A_81, %eq3A : vector<16x1024xf32>
      %jit3A = arith.constant 1024 : i32
      %broadcast_in_dim3A_88 = vector.broadcast %jit3A : i32 to vector<16x1024xi32>
      %select_n3A = arith.select %eq3A_87, %iota3A_40, %broadcast_in_dim3A_88 : vector<16x1024xi1>, vector<16x1024xi32>
      %reduce_min3A = arith.constant dense<2147483647> : vector<16xi32>
      %reduce_min3A_89 = vector.multi_reduction <minsi>, %select_n3A, %reduce_min3A [1] : vector<16x1024xi32> to vector<16xi32>
      %broadcast_in_dim3A_90 = vector.shape_cast %reduce_min3A_89 : vector<16xi32> to vector<16x1xi32>
      %eq3A_91 = vector.broadcast %broadcast_in_dim3A_90 : vector<16x1xi32> to vector<16x1024xi32>
      %eq3A_92 = arith.cmpi eq, %iota3A_40, %eq3A_91 : vector<16x1024xi32>
      %jit3A_93 = arith.constant 0.000000e+00 : f32
      %broadcast_in_dim3A_94 = vector.broadcast %jit3A_93 : f32 to vector<16x1024xf32>
      %select_n3A_95 = arith.select %eq3A_92, %scan3A_30#1, %broadcast_in_dim3A_94 : vector<16x1024xi1>, vector<16x1024xf32>
      %reduce_sum3A = arith.constant dense<0.000000e+00> : vector<16xf32>
      %reduce_sum3A_96 = vector.multi_reduction <add>, %select_n3A_95, %reduce_sum3A [1] : vector<16x1024xf32> to vector<16xf32>
      %broadcast_in_dim3A_97 = vector.shape_cast %reduce_sum3A_96 : vector<16xf32> to vector<16x1xf32>
      %jit3A_98 = arith.constant 0.000000e+00 : f32
      %broadcast_in_dim3A_99 = vector.broadcast %jit3A_98 : f32 to vector<16x1024xf32>
      %select_n3A_100 = arith.select %eq3A_92, %scan3A_30#2, %broadcast_in_dim3A_99 : vector<16x1024xi1>, vector<16x1024xf32>
      %reduce_sum3A_101 = arith.constant dense<0.000000e+00> : vector<16xf32>
      %reduce_sum3A_102 = vector.multi_reduction <add>, %select_n3A_100, %reduce_sum3A_101 [1] : vector<16x1024xf32> to vector<16xf32>
      %broadcast_in_dim3A_103 = vector.shape_cast %reduce_sum3A_102 : vector<16xf32> to vector<16x1xf32>
      %jit3A_104 = arith.constant 0.000000e+00 : f32
      %broadcast_in_dim3A_105 = vector.broadcast %jit3A_104 : f32 to vector<16x1024xf32>
      %select_n3A_106 = arith.select %eq3A_92, %scan3A_30#3, %broadcast_in_dim3A_105 : vector<16x1024xi1>, vector<16x1024xf32>
      %reduce_sum3A_107 = arith.constant dense<0.000000e+00> : vector<16xf32>
      %reduce_sum3A_108 = vector.multi_reduction <add>, %select_n3A_106, %reduce_sum3A_107 [1] : vector<16x1024xf32> to vector<16xf32>
      %broadcast_in_dim3A_109 = vector.shape_cast %reduce_sum3A_108 : vector<16xf32> to vector<16x1xf32>
      %sub3A_110 = vector.broadcast %broadcast_in_dim3A_97 : vector<16x1xf32> to vector<16x1024xf32>
      %sub3A_111 = arith.subf %scan3A_30#1, %sub3A_110 : vector<16x1024xf32>
      %sub3A_112 = vector.broadcast %broadcast_in_dim3A_103 : vector<16x1xf32> to vector<16x1024xf32>
      %sub3A_113 = arith.subf %scan3A_30#2, %sub3A_112 : vector<16x1024xf32>
      %sub3A_114 = vector.broadcast %broadcast_in_dim3A_109 : vector<16x1xf32> to vector<16x1024xf32>
      %sub3A_115 = arith.subf %scan3A_30#3, %sub3A_114 : vector<16x1024xf32>
      %mul3A_116 = arith.mulf %sub3A_111, %sub3A_111 : vector<16x1024xf32>
      %mul3A_117 = arith.mulf %sub3A_113, %sub3A_113 : vector<16x1024xf32>
      %add3A_118 = arith.addf %mul3A_116, %mul3A_117 : vector<16x1024xf32>
      %mul3A_119 = arith.mulf %sub3A_115, %sub3A_115 : vector<16x1024xf32>
      %add3A_120 = arith.addf %add3A_118, %mul3A_119 : vector<16x1024xf32>
      %min3A = arith.minimumf %scan3A_81, %add3A_120 : vector<16x1024xf32>
      %eq3A_121 = vector.broadcast %scan3A_80 : i32 to vector<16x256xi32>
      %eq3A_122 = arith.cmpi eq, %iota3A_41, %eq3A_121 : vector<16x256xi32>
      %broadcast_in_dim3A_123 = vector.shape_cast %broadcast_in_dim3A_97 : vector<16x1xf32> to vector<16x1xf32>
      %broadcast_in_dim3A_124 = vector.broadcast %broadcast_in_dim3A_123 : vector<16x1xf32> to vector<16x256xf32>
      %select_n3A_125 = arith.select %eq3A_122, %broadcast_in_dim3A_124, %scan3A_82 : vector<16x256xi1>, vector<16x256xf32>
      %broadcast_in_dim3A_126 = vector.shape_cast %broadcast_in_dim3A_103 : vector<16x1xf32> to vector<16x1xf32>
      %broadcast_in_dim3A_127 = vector.broadcast %broadcast_in_dim3A_126 : vector<16x1xf32> to vector<16x256xf32>
      %select_n3A_128 = arith.select %eq3A_122, %broadcast_in_dim3A_127, %scan3A_83 : vector<16x256xi1>, vector<16x256xf32>
      %broadcast_in_dim3A_129 = vector.shape_cast %broadcast_in_dim3A_109 : vector<16x1xf32> to vector<16x1xf32>
      %broadcast_in_dim3A_130 = vector.broadcast %broadcast_in_dim3A_129 : vector<16x1xf32> to vector<16x256xf32>
      %select_n3A_131 = arith.select %eq3A_122, %broadcast_in_dim3A_130, %scan3A_84 : vector<16x256xi1>, vector<16x256xf32>
      scf.yield %min3A, %select_n3A_125, %select_n3A_128, %select_n3A_131 : vector<16x1024xf32>, vector<16x256xf32>, vector<16x256xf32>, vector<16x256xf32>
    }
    %scan3A_70 = arith.constant 255 : i32
    %swap3A_71 = arith.constant 0 : index
    %swap3A_72 = arith.constant 0 : index
    %swap3A_73 = vector.load %arg6[%swap3A_71, %swap3A_72] : memref<16x256xf32, #tpu.memory_space<vmem>>, vector<16x256xf32>
    tpu.vector_store %arg6[%swap3A_71, %swap3A_72], %scan3A_69#1 {strides = array<i32>} : memref<16x256xf32, #tpu.memory_space<vmem>>, vector<16x256xf32>,
    %swap3A_74 = arith.constant 0 : index
    %swap3A_75 = arith.constant 0 : index
    %swap3A_76 = vector.load %arg7[%swap3A_74, %swap3A_75] : memref<16x256xf32, #tpu.memory_space<vmem>>, vector<16x256xf32>
    tpu.vector_store %arg7[%swap3A_74, %swap3A_75], %scan3A_69#2 {strides = array<i32>} : memref<16x256xf32, #tpu.memory_space<vmem>>, vector<16x256xf32>,
    %swap3A_77 = arith.constant 0 : index
    %swap3A_78 = arith.constant 0 : index
    %swap3A_79 = vector.load %arg8[%swap3A_77, %swap3A_78] : memref<16x256xf32, #tpu.memory_space<vmem>>, vector<16x256xf32>
    tpu.vector_store %arg8[%swap3A_77, %swap3A_78], %scan3A_69#3 {strides = array<i32>} : memref<16x256xf32, #tpu.memory_space<vmem>>, vector<16x256xf32>,
    return
  }
}

module attributes {stable_mosaic.version = 14 : i64} {
  func.func @_mlp_max_body(%arg0: i32, %arg1: i32, %arg2: memref<1x8192x6xf32, #tpu.memory_space<vmem>>, %arg3: memref<1x1x8192xf32, #tpu.memory_space<vmem>>, %arg4: memref<6x64xf32, #tpu.memory_space<vmem>>, %arg5: memref<64xf32, #tpu.memory_space<vmem>>, %arg6: memref<64x64xf32, #tpu.memory_space<vmem>>, %arg7: memref<64xf32, #tpu.memory_space<vmem>>, %arg8: memref<64x128xf32, #tpu.memory_space<vmem>>, %arg9: memref<128xf32, #tpu.memory_space<vmem>>, %arg10: memref<1x1024x128xf32, #tpu.memory_space<vmem>>) attributes {dimension_semantics = [#tpu.dimension_semantics<arbitrary>, #tpu.dimension_semantics<arbitrary>], iteration_bounds = array<i64: 16, 8>, scalar_prefetch = 0 : i64, scratch_operands = 0 : i64, tpu.core_type = #tpu.core_type<tc>, window_params = [{transform_indices = @transform_0, window_bounds = array<i64: 1, 8192, 6>}, {transform_indices = @transform_1, window_bounds = array<i64: 1, 1, 8192>}, {pipeline_mode = #tpu.pipeline_mode<synchronous>, transform_indices = @transform_2, window_bounds = array<i64: 6, 64>}, {pipeline_mode = #tpu.pipeline_mode<synchronous>, transform_indices = @transform_3, window_bounds = array<i64: 64>}, {pipeline_mode = #tpu.pipeline_mode<synchronous>, transform_indices = @transform_4, window_bounds = array<i64: 64, 64>}, {pipeline_mode = #tpu.pipeline_mode<synchronous>, transform_indices = @transform_5, window_bounds = array<i64: 64>}, {pipeline_mode = #tpu.pipeline_mode<synchronous>, transform_indices = @transform_6, window_bounds = array<i64: 64, 128>}, {pipeline_mode = #tpu.pipeline_mode<synchronous>, transform_indices = @transform_7, window_bounds = array<i64: 128>}, {transform_indices = @transform_8, window_bounds = array<i64: 1, 1024, 128>}]} {
    %get3A = arith.constant 0 : index
    %get3A_0 = arith.constant 0 : index
    %get3A_1 = arith.constant 0 : index
    %get3A_2 = vector.load %arg2[%get3A, %get3A_0, %get3A_1] : memref<1x8192x6xf32, #tpu.memory_space<vmem>>, vector<1x8192x6xf32>
    %get3A_3 = vector.shape_cast %get3A_2 : vector<1x8192x6xf32> to vector<8192x6xf32>
    %get3A_4 = arith.constant 0 : index
    %get3A_5 = arith.constant 0 : index
    %get3A_6 = vector.load %arg4[%get3A_4, %get3A_5] : memref<6x64xf32, #tpu.memory_space<vmem>>, vector<6x64xf32>
    %dot_general3A = arith.constant dense<0.000000e+00> : vector<8192x64xf32>
    %dot_general3A_7 = tpu.matmul %get3A_3, %get3A_6, %dot_general3A {dimension_numbers = #tpu.dot_dimension_numbers<[1], [0], [0], [1], [0, 0, 1, 1], [], []>, transpose_lhs_hint = false} : vector<8192x6xf32>, vector<6x64xf32>, vector<8192x64xf32> -> vector<8192x64xf32>
    %get3A_8 = arith.constant 0 : index
    %get3A_9 = vector.load %arg5[%get3A_8] : memref<64xf32, #tpu.memory_space<vmem>>, vector<64xf32>
    %broadcast_in_dim3A = vector.shape_cast %get3A_9 : vector<64xf32> to vector<1x64xf32>
    %add3A = vector.broadcast %broadcast_in_dim3A : vector<1x64xf32> to vector<8192x64xf32>
    %add3A_10 = arith.addf %dot_general3A_7, %add3A : vector<8192x64xf32>
    %max3A = arith.constant 0.000000e+00 : f32
    %max3A_11 = vector.broadcast %max3A : f32 to vector<8192x64xf32>
    %max3A_12 = arith.maximumf %add3A_10, %max3A_11 : vector<8192x64xf32>
    %get3A_13 = arith.constant 0 : index
    %get3A_14 = arith.constant 0 : index
    %get3A_15 = vector.load %arg6[%get3A_13, %get3A_14] : memref<64x64xf32, #tpu.memory_space<vmem>>, vector<64x64xf32>
    %dot_general3A_16 = arith.constant dense<0.000000e+00> : vector<8192x64xf32>
    %dot_general3A_17 = tpu.matmul %max3A_12, %get3A_15, %dot_general3A_16 {dimension_numbers = #tpu.dot_dimension_numbers<[1], [0], [0], [1], [0, 0, 1, 1], [], []>, transpose_lhs_hint = false} : vector<8192x64xf32>, vector<64x64xf32>, vector<8192x64xf32> -> vector<8192x64xf32>
    %get3A_18 = arith.constant 0 : index
    %get3A_19 = vector.load %arg7[%get3A_18] : memref<64xf32, #tpu.memory_space<vmem>>, vector<64xf32>
    %broadcast_in_dim3A_20 = vector.shape_cast %get3A_19 : vector<64xf32> to vector<1x64xf32>
    %add3A_21 = vector.broadcast %broadcast_in_dim3A_20 : vector<1x64xf32> to vector<8192x64xf32>
    %add3A_22 = arith.addf %dot_general3A_17, %add3A_21 : vector<8192x64xf32>
    %max3A_23 = arith.constant 0.000000e+00 : f32
    %max3A_24 = vector.broadcast %max3A_23 : f32 to vector<8192x64xf32>
    %max3A_25 = arith.maximumf %add3A_22, %max3A_24 : vector<8192x64xf32>
    %get3A_26 = arith.constant 0 : index
    %get3A_27 = arith.constant 0 : index
    %get3A_28 = vector.load %arg8[%get3A_26, %get3A_27] : memref<64x128xf32, #tpu.memory_space<vmem>>, vector<64x128xf32>
    %dot_general3A_29 = arith.constant dense<0.000000e+00> : vector<8192x128xf32>
    %dot_general3A_30 = tpu.matmul %max3A_25, %get3A_28, %dot_general3A_29 {dimension_numbers = #tpu.dot_dimension_numbers<[1], [0], [0], [1], [0, 0, 1, 1], [], []>, transpose_lhs_hint = false} : vector<8192x64xf32>, vector<64x128xf32>, vector<8192x128xf32> -> vector<8192x128xf32>
    %get3A_31 = arith.constant 0 : index
    %get3A_32 = vector.load %arg9[%get3A_31] : memref<128xf32, #tpu.memory_space<vmem>>, vector<128xf32>
    %broadcast_in_dim3A_33 = vector.shape_cast %get3A_32 : vector<128xf32> to vector<1x128xf32>
    %add3A_34 = vector.broadcast %broadcast_in_dim3A_33 : vector<1x128xf32> to vector<8192x128xf32>
    %add3A_35 = arith.addf %dot_general3A_30, %add3A_34 : vector<8192x128xf32>
    %get3A_36 = arith.constant 0 : index
    %get3A_37 = arith.constant 0 : index
    %get3A_38 = arith.constant 0 : index
    %get3A_39 = vector.load %arg3[%get3A_36, %get3A_37, %get3A_38] : memref<1x1x8192xf32, #tpu.memory_space<vmem>>, vector<1x1x8192xf32>
    %get3A_40 = vector.shape_cast %get3A_39 : vector<1x1x8192xf32> to vector<8192xf32>
    %broadcast_in_dim3A_41 = vector.shape_cast %get3A_40 : vector<8192xf32> to vector<8192x1xf32>
    %gt3A = arith.constant 5.000000e-01 : f32
    %gt3A_42 = vector.broadcast %gt3A : f32 to vector<8192x1xf32>
    %gt3A_43 = arith.cmpf ogt, %broadcast_in_dim3A_41, %gt3A_42 : vector<8192x1xf32>
    %jit3A = arith.constant 0xFF800000 : f32
    %broadcast_in_dim3A_44 = vector.shape_cast %gt3A_43 : vector<8192x1xi1> to vector<8192x1xi1>
    %broadcast_in_dim3A_45 = vector.broadcast %broadcast_in_dim3A_44 : vector<8192x1xi1> to vector<8192x128xi1>
    %broadcast_in_dim3A_46 = vector.broadcast %jit3A : f32 to vector<8192x128xf32>
    %select_n3A = arith.select %broadcast_in_dim3A_45, %add3A_35, %broadcast_in_dim3A_46 : vector<8192x128xi1>, vector<8192x128xf32>
    %slice3A = vector.extract_strided_slice %select_n3A {offsets = [0, 0], sizes = [1024, 128], strides = [1, 1]} : vector<8192x128xf32> to vector<1024x128xf32>
    %slice3A_47 = vector.extract_strided_slice %select_n3A {offsets = [1024, 0], sizes = [1024, 128], strides = [1, 1]} : vector<8192x128xf32> to vector<1024x128xf32>
    %max3A_48 = arith.maximumf %slice3A, %slice3A_47 : vector<1024x128xf32>
    %slice3A_49 = vector.extract_strided_slice %select_n3A {offsets = [2048, 0], sizes = [1024, 128], strides = [1, 1]} : vector<8192x128xf32> to vector<1024x128xf32>
    %max3A_50 = arith.maximumf %max3A_48, %slice3A_49 : vector<1024x128xf32>
    %slice3A_51 = vector.extract_strided_slice %select_n3A {offsets = [3072, 0], sizes = [1024, 128], strides = [1, 1]} : vector<8192x128xf32> to vector<1024x128xf32>
    %max3A_52 = arith.maximumf %max3A_50, %slice3A_51 : vector<1024x128xf32>
    %slice3A_53 = vector.extract_strided_slice %select_n3A {offsets = [4096, 0], sizes = [1024, 128], strides = [1, 1]} : vector<8192x128xf32> to vector<1024x128xf32>
    %max3A_54 = arith.maximumf %max3A_52, %slice3A_53 : vector<1024x128xf32>
    %slice3A_55 = vector.extract_strided_slice %select_n3A {offsets = [5120, 0], sizes = [1024, 128], strides = [1, 1]} : vector<8192x128xf32> to vector<1024x128xf32>
    %max3A_56 = arith.maximumf %max3A_54, %slice3A_55 : vector<1024x128xf32>
    %slice3A_57 = vector.extract_strided_slice %select_n3A {offsets = [6144, 0], sizes = [1024, 128], strides = [1, 1]} : vector<8192x128xf32> to vector<1024x128xf32>
    %max3A_58 = arith.maximumf %max3A_56, %slice3A_57 : vector<1024x128xf32>
    %slice3A_59 = vector.extract_strided_slice %select_n3A {offsets = [7168, 0], sizes = [1024, 128], strides = [1, 1]} : vector<8192x128xf32> to vector<1024x128xf32>
    %max3A_60 = arith.maximumf %max3A_58, %slice3A_59 : vector<1024x128xf32>
    %eq3A = arith.constant 0 : i32
    %eq3A_61 = arith.cmpi eq, %arg1, %eq3A : i32
    %convert_element_type3A = arith.extui %eq3A_61 : i1 to i32
    %cond3A = arith.constant 0 : i32
    %cond3A_62 = arith.cmpi ne, %convert_element_type3A, %cond3A : i32
    scf.if %cond3A_62 {
      %swap3A = arith.constant 0 : index
      %swap3A_73 = arith.constant 0 : index
      %swap3A_74 = arith.constant 0 : index
      %swap3A_75 = vector.load %arg10[%swap3A, %swap3A_73, %swap3A_74] : memref<1x1024x128xf32, #tpu.memory_space<vmem>>, vector<1x1024x128xf32>
      %swap3A_76 = vector.shape_cast %swap3A_75 : vector<1x1024x128xf32> to vector<1024x128xf32>
      %swap3A_77 = vector.shape_cast %max3A_60 : vector<1024x128xf32> to vector<1x1024x128xf32>
      tpu.vector_store %arg10[%swap3A, %swap3A_73, %swap3A_74], %swap3A_77 {strides = array<i32>} : memref<1x1024x128xf32, #tpu.memory_space<vmem>>, vector<1x1024x128xf32>,
    } else {
    }
    %gt3A_63 = arith.constant 0 : i32
    %gt3A_64 = arith.cmpi sgt, %arg1, %gt3A_63 : i32
    %convert_element_type3A_65 = arith.extui %gt3A_64 : i1 to i32
    %cond3A_66 = arith.constant 0 : i32
    %cond3A_67 = arith.cmpi ne, %convert_element_type3A_65, %cond3A_66 : i32
    scf.if %cond3A_67 {
      %get3A_73 = arith.constant 0 : index
      %get3A_74 = arith.constant 0 : index
      %get3A_75 = arith.constant 0 : index
      %get3A_76 = vector.load %arg10[%get3A_73, %get3A_74, %get3A_75] : memref<1x1024x128xf32, #tpu.memory_space<vmem>>, vector<1x1024x128xf32>
      %get3A_77 = vector.shape_cast %get3A_76 : vector<1x1024x128xf32> to vector<1024x128xf32>
      %max3A_78 = arith.maximumf %get3A_77, %max3A_60 : vector<1024x128xf32>
      %swap3A = arith.constant 0 : index
      %swap3A_79 = arith.constant 0 : index
      %swap3A_80 = arith.constant 0 : index
      %swap3A_81 = vector.load %arg10[%swap3A, %swap3A_79, %swap3A_80] : memref<1x1024x128xf32, #tpu.memory_space<vmem>>, vector<1x1024x128xf32>
      %swap3A_82 = vector.shape_cast %swap3A_81 : vector<1x1024x128xf32> to vector<1024x128xf32>
      %swap3A_83 = vector.shape_cast %max3A_78 : vector<1024x128xf32> to vector<1x1024x128xf32>
      tpu.vector_store %arg10[%swap3A, %swap3A_79, %swap3A_80], %swap3A_83 {strides = array<i32>} : memref<1x1024x128xf32, #tpu.memory_space<vmem>>, vector<1x1024x128xf32>,
    } else {
    }
    %eq3A_68 = arith.constant 7 : i32
    %eq3A_69 = arith.cmpi eq, %arg1, %eq3A_68 : i32
    %convert_element_type3A_70 = arith.extui %eq3A_69 : i1 to i32
    %cond3A_71 = arith.constant 0 : i32
    %cond3A_72 = arith.cmpi ne, %convert_element_type3A_70, %cond3A_71 : i32
    scf.if %cond3A_72 {
      %get3A_73 = arith.constant 0 : index
      %get3A_74 = arith.constant 0 : index
      %get3A_75 = arith.constant 0 : index
      %get3A_76 = vector.load %arg10[%get3A_73, %get3A_74, %get3A_75] : memref<1x1024x128xf32, #tpu.memory_space<vmem>>, vector<1x1024x128xf32>
      %get3A_77 = vector.shape_cast %get3A_76 : vector<1x1024x128xf32> to vector<1024x128xf32>
      %eq3A_78 = arith.constant 0xFF800000 : f32
      %eq3A_79 = vector.broadcast %eq3A_78 : f32 to vector<1024x128xf32>
      %eq3A_80 = arith.cmpf oeq, %get3A_77, %eq3A_79 : vector<1024x128xf32>
      %jit3A_81 = arith.constant 0.000000e+00 : f32
      %broadcast_in_dim3A_82 = vector.broadcast %jit3A_81 : f32 to vector<1024x128xf32>
      %select_n3A_83 = arith.select %eq3A_80, %broadcast_in_dim3A_82, %get3A_77 : vector<1024x128xi1>, vector<1024x128xf32>
      %swap3A = arith.constant 0 : index
      %swap3A_84 = arith.constant 0 : index
      %swap3A_85 = arith.constant 0 : index
      %swap3A_86 = vector.load %arg10[%swap3A, %swap3A_84, %swap3A_85] : memref<1x1024x128xf32, #tpu.memory_space<vmem>>, vector<1x1024x128xf32>
      %swap3A_87 = vector.shape_cast %swap3A_86 : vector<1x1024x128xf32> to vector<1024x128xf32>
      %swap3A_88 = vector.shape_cast %select_n3A_83 : vector<1024x128xf32> to vector<1x1024x128xf32>
      tpu.vector_store %arg10[%swap3A, %swap3A_84, %swap3A_85], %swap3A_88 {strides = array<i32>} : memref<1x1024x128xf32, #tpu.memory_space<vmem>>, vector<1x1024x128xf32>,
    } else {
    }
    return
  }
  func.func @transform_0(%arg0: i32, %arg1: i32) -> (i32, i32, i32) {
    %c0_i32 = arith.constant 0 : i32
    %c0_i32_0 = arith.constant 0 : i32
    return %arg0, %arg1, %c0_i32 : i32, i32, i32
  }
  func.func @transform_1(%arg0: i32, %arg1: i32) -> (i32, i32, i32) {
    %mul3A = arith.constant 8 : i32
    %mul3A_0 = arith.muli %arg0, %mul3A : i32
    %add3A = arith.addi %mul3A_0, %arg1 : i32
    %c0_i32 = arith.constant 0 : i32
    %c0_i32_1 = arith.constant 0 : i32
    %c0_i32_2 = arith.constant 0 : i32
    return %add3A, %c0_i32, %c0_i32_1 : i32, i32, i32
  }
  func.func @transform_2(%arg0: i32, %arg1: i32) -> (i32, i32) {
    %c0_i32 = arith.constant 0 : i32
    %c0_i32_0 = arith.constant 0 : i32
    %c0_i32_1 = arith.constant 0 : i32
    return %c0_i32, %c0_i32_0 : i32, i32
  }
  func.func @transform_3(%arg0: i32, %arg1: i32) -> i32 {
    %c0_i32 = arith.constant 0 : i32
    %c0_i32_0 = arith.constant 0 : i32
    return %c0_i32 : i32
  }
  func.func @transform_4(%arg0: i32, %arg1: i32) -> (i32, i32) {
    %c0_i32 = arith.constant 0 : i32
    %c0_i32_0 = arith.constant 0 : i32
    %c0_i32_1 = arith.constant 0 : i32
    return %c0_i32, %c0_i32_0 : i32, i32
  }
  func.func @transform_5(%arg0: i32, %arg1: i32) -> i32 {
    %c0_i32 = arith.constant 0 : i32
    %c0_i32_0 = arith.constant 0 : i32
    return %c0_i32 : i32
  }
  func.func @transform_6(%arg0: i32, %arg1: i32) -> (i32, i32) {
    %c0_i32 = arith.constant 0 : i32
    %c0_i32_0 = arith.constant 0 : i32
    %c0_i32_1 = arith.constant 0 : i32
    return %c0_i32, %c0_i32_0 : i32, i32
  }
  func.func @transform_7(%arg0: i32, %arg1: i32) -> i32 {
    %c0_i32 = arith.constant 0 : i32
    %c0_i32_0 = arith.constant 0 : i32
    return %c0_i32 : i32
  }
  func.func @transform_8(%arg0: i32, %arg1: i32) -> (i32, i32, i32) {
    %c0_i32 = arith.constant 0 : i32
    %c0_i32_0 = arith.constant 0 : i32
    %c0_i32_1 = arith.constant 0 : i32
    return %arg0, %c0_i32, %c0_i32_0 : i32, i32, i32
  }
}

module attributes {stable_mosaic.version = 14 : i64} {
  func.func @_mlp_max_body(%arg0: i32, %arg1: i32, %arg2: memref<1x4096x131xf32, #tpu.memory_space<vmem>>, %arg3: memref<1x1x4096xf32, #tpu.memory_space<vmem>>, %arg4: memref<131x128xf32, #tpu.memory_space<vmem>>, %arg5: memref<128xf32, #tpu.memory_space<vmem>>, %arg6: memref<128x128xf32, #tpu.memory_space<vmem>>, %arg7: memref<128xf32, #tpu.memory_space<vmem>>, %arg8: memref<128x256xf32, #tpu.memory_space<vmem>>, %arg9: memref<256xf32, #tpu.memory_space<vmem>>, %arg10: memref<1x256x256xf32, #tpu.memory_space<vmem>>) attributes {dimension_semantics = [#tpu.dimension_semantics<arbitrary>, #tpu.dimension_semantics<arbitrary>], iteration_bounds = array<i64: 16, 4>, scalar_prefetch = 0 : i64, scratch_operands = 0 : i64, tpu.core_type = #tpu.core_type<tc>, window_params = [{transform_indices = @transform_0, window_bounds = array<i64: 1, 4096, 131>}, {transform_indices = @transform_1, window_bounds = array<i64: 1, 1, 4096>}, {pipeline_mode = #tpu.pipeline_mode<synchronous>, transform_indices = @transform_2, window_bounds = array<i64: 131, 128>}, {pipeline_mode = #tpu.pipeline_mode<synchronous>, transform_indices = @transform_3, window_bounds = array<i64: 128>}, {pipeline_mode = #tpu.pipeline_mode<synchronous>, transform_indices = @transform_4, window_bounds = array<i64: 128, 128>}, {pipeline_mode = #tpu.pipeline_mode<synchronous>, transform_indices = @transform_5, window_bounds = array<i64: 128>}, {pipeline_mode = #tpu.pipeline_mode<synchronous>, transform_indices = @transform_6, window_bounds = array<i64: 128, 256>}, {pipeline_mode = #tpu.pipeline_mode<synchronous>, transform_indices = @transform_7, window_bounds = array<i64: 256>}, {transform_indices = @transform_8, window_bounds = array<i64: 1, 256, 256>}]} {
    %get3A = arith.constant 0 : index
    %get3A_0 = arith.constant 0 : index
    %get3A_1 = arith.constant 0 : index
    %get3A_2 = vector.load %arg2[%get3A, %get3A_0, %get3A_1] : memref<1x4096x131xf32, #tpu.memory_space<vmem>>, vector<1x4096x131xf32>
    %get3A_3 = vector.shape_cast %get3A_2 : vector<1x4096x131xf32> to vector<4096x131xf32>
    %get3A_4 = arith.constant 0 : index
    %get3A_5 = arith.constant 0 : index
    %get3A_6 = vector.load %arg4[%get3A_4, %get3A_5] : memref<131x128xf32, #tpu.memory_space<vmem>>, vector<131x128xf32>
    %dot_general3A = arith.constant dense<0.000000e+00> : vector<4096x128xf32>
    %dot_general3A_7 = tpu.matmul %get3A_3, %get3A_6, %dot_general3A {dimension_numbers = #tpu.dot_dimension_numbers<[1], [0], [0], [1], [0, 0, 1, 1], [], []>, transpose_lhs_hint = false} : vector<4096x131xf32>, vector<131x128xf32>, vector<4096x128xf32> -> vector<4096x128xf32>
    %get3A_8 = arith.constant 0 : index
    %get3A_9 = vector.load %arg5[%get3A_8] : memref<128xf32, #tpu.memory_space<vmem>>, vector<128xf32>
    %broadcast_in_dim3A = vector.shape_cast %get3A_9 : vector<128xf32> to vector<1x128xf32>
    %add3A = vector.broadcast %broadcast_in_dim3A : vector<1x128xf32> to vector<4096x128xf32>
    %add3A_10 = arith.addf %dot_general3A_7, %add3A : vector<4096x128xf32>
    %max3A = arith.constant 0.000000e+00 : f32
    %max3A_11 = vector.broadcast %max3A : f32 to vector<4096x128xf32>
    %max3A_12 = arith.maximumf %add3A_10, %max3A_11 : vector<4096x128xf32>
    %get3A_13 = arith.constant 0 : index
    %get3A_14 = arith.constant 0 : index
    %get3A_15 = vector.load %arg6[%get3A_13, %get3A_14] : memref<128x128xf32, #tpu.memory_space<vmem>>, vector<128x128xf32>
    %dot_general3A_16 = arith.constant dense<0.000000e+00> : vector<4096x128xf32>
    %dot_general3A_17 = tpu.matmul %max3A_12, %get3A_15, %dot_general3A_16 {dimension_numbers = #tpu.dot_dimension_numbers<[1], [0], [0], [1], [0, 0, 1, 1], [], []>, transpose_lhs_hint = false} : vector<4096x128xf32>, vector<128x128xf32>, vector<4096x128xf32> -> vector<4096x128xf32>
    %get3A_18 = arith.constant 0 : index
    %get3A_19 = vector.load %arg7[%get3A_18] : memref<128xf32, #tpu.memory_space<vmem>>, vector<128xf32>
    %broadcast_in_dim3A_20 = vector.shape_cast %get3A_19 : vector<128xf32> to vector<1x128xf32>
    %add3A_21 = vector.broadcast %broadcast_in_dim3A_20 : vector<1x128xf32> to vector<4096x128xf32>
    %add3A_22 = arith.addf %dot_general3A_17, %add3A_21 : vector<4096x128xf32>
    %max3A_23 = arith.constant 0.000000e+00 : f32
    %max3A_24 = vector.broadcast %max3A_23 : f32 to vector<4096x128xf32>
    %max3A_25 = arith.maximumf %add3A_22, %max3A_24 : vector<4096x128xf32>
    %get3A_26 = arith.constant 0 : index
    %get3A_27 = arith.constant 0 : index
    %get3A_28 = vector.load %arg8[%get3A_26, %get3A_27] : memref<128x256xf32, #tpu.memory_space<vmem>>, vector<128x256xf32>
    %dot_general3A_29 = arith.constant dense<0.000000e+00> : vector<4096x256xf32>
    %dot_general3A_30 = tpu.matmul %max3A_25, %get3A_28, %dot_general3A_29 {dimension_numbers = #tpu.dot_dimension_numbers<[1], [0], [0], [1], [0, 0, 1, 1], [], []>, transpose_lhs_hint = false} : vector<4096x128xf32>, vector<128x256xf32>, vector<4096x256xf32> -> vector<4096x256xf32>
    %get3A_31 = arith.constant 0 : index
    %get3A_32 = vector.load %arg9[%get3A_31] : memref<256xf32, #tpu.memory_space<vmem>>, vector<256xf32>
    %broadcast_in_dim3A_33 = vector.shape_cast %get3A_32 : vector<256xf32> to vector<1x256xf32>
    %add3A_34 = vector.broadcast %broadcast_in_dim3A_33 : vector<1x256xf32> to vector<4096x256xf32>
    %add3A_35 = arith.addf %dot_general3A_30, %add3A_34 : vector<4096x256xf32>
    %get3A_36 = arith.constant 0 : index
    %get3A_37 = arith.constant 0 : index
    %get3A_38 = arith.constant 0 : index
    %get3A_39 = vector.load %arg3[%get3A_36, %get3A_37, %get3A_38] : memref<1x1x4096xf32, #tpu.memory_space<vmem>>, vector<1x1x4096xf32>
    %get3A_40 = vector.shape_cast %get3A_39 : vector<1x1x4096xf32> to vector<4096xf32>
    %broadcast_in_dim3A_41 = vector.shape_cast %get3A_40 : vector<4096xf32> to vector<4096x1xf32>
    %gt3A = arith.constant 5.000000e-01 : f32
    %gt3A_42 = vector.broadcast %gt3A : f32 to vector<4096x1xf32>
    %gt3A_43 = arith.cmpf ogt, %broadcast_in_dim3A_41, %gt3A_42 : vector<4096x1xf32>
    %jit3A = arith.constant 0xFF800000 : f32
    %broadcast_in_dim3A_44 = vector.shape_cast %gt3A_43 : vector<4096x1xi1> to vector<4096x1xi1>
    %broadcast_in_dim3A_45 = vector.broadcast %broadcast_in_dim3A_44 : vector<4096x1xi1> to vector<4096x256xi1>
    %broadcast_in_dim3A_46 = vector.broadcast %jit3A : f32 to vector<4096x256xf32>
    %select_n3A = arith.select %broadcast_in_dim3A_45, %add3A_35, %broadcast_in_dim3A_46 : vector<4096x256xi1>, vector<4096x256xf32>
    %slice3A = vector.extract_strided_slice %select_n3A {offsets = [0, 0], sizes = [256, 256], strides = [1, 1]} : vector<4096x256xf32> to vector<256x256xf32>
    %slice3A_47 = vector.extract_strided_slice %select_n3A {offsets = [256, 0], sizes = [256, 256], strides = [1, 1]} : vector<4096x256xf32> to vector<256x256xf32>
    %max3A_48 = arith.maximumf %slice3A, %slice3A_47 : vector<256x256xf32>
    %slice3A_49 = vector.extract_strided_slice %select_n3A {offsets = [512, 0], sizes = [256, 256], strides = [1, 1]} : vector<4096x256xf32> to vector<256x256xf32>
    %max3A_50 = arith.maximumf %max3A_48, %slice3A_49 : vector<256x256xf32>
    %slice3A_51 = vector.extract_strided_slice %select_n3A {offsets = [768, 0], sizes = [256, 256], strides = [1, 1]} : vector<4096x256xf32> to vector<256x256xf32>
    %max3A_52 = arith.maximumf %max3A_50, %slice3A_51 : vector<256x256xf32>
    %slice3A_53 = vector.extract_strided_slice %select_n3A {offsets = [1024, 0], sizes = [256, 256], strides = [1, 1]} : vector<4096x256xf32> to vector<256x256xf32>
    %max3A_54 = arith.maximumf %max3A_52, %slice3A_53 : vector<256x256xf32>
    %slice3A_55 = vector.extract_strided_slice %select_n3A {offsets = [1280, 0], sizes = [256, 256], strides = [1, 1]} : vector<4096x256xf32> to vector<256x256xf32>
    %max3A_56 = arith.maximumf %max3A_54, %slice3A_55 : vector<256x256xf32>
    %slice3A_57 = vector.extract_strided_slice %select_n3A {offsets = [1536, 0], sizes = [256, 256], strides = [1, 1]} : vector<4096x256xf32> to vector<256x256xf32>
    %max3A_58 = arith.maximumf %max3A_56, %slice3A_57 : vector<256x256xf32>
    %slice3A_59 = vector.extract_strided_slice %select_n3A {offsets = [1792, 0], sizes = [256, 256], strides = [1, 1]} : vector<4096x256xf32> to vector<256x256xf32>
    %max3A_60 = arith.maximumf %max3A_58, %slice3A_59 : vector<256x256xf32>
    %slice3A_61 = vector.extract_strided_slice %select_n3A {offsets = [2048, 0], sizes = [256, 256], strides = [1, 1]} : vector<4096x256xf32> to vector<256x256xf32>
    %max3A_62 = arith.maximumf %max3A_60, %slice3A_61 : vector<256x256xf32>
    %slice3A_63 = vector.extract_strided_slice %select_n3A {offsets = [2304, 0], sizes = [256, 256], strides = [1, 1]} : vector<4096x256xf32> to vector<256x256xf32>
    %max3A_64 = arith.maximumf %max3A_62, %slice3A_63 : vector<256x256xf32>
    %slice3A_65 = vector.extract_strided_slice %select_n3A {offsets = [2560, 0], sizes = [256, 256], strides = [1, 1]} : vector<4096x256xf32> to vector<256x256xf32>
    %max3A_66 = arith.maximumf %max3A_64, %slice3A_65 : vector<256x256xf32>
    %slice3A_67 = vector.extract_strided_slice %select_n3A {offsets = [2816, 0], sizes = [256, 256], strides = [1, 1]} : vector<4096x256xf32> to vector<256x256xf32>
    %max3A_68 = arith.maximumf %max3A_66, %slice3A_67 : vector<256x256xf32>
    %slice3A_69 = vector.extract_strided_slice %select_n3A {offsets = [3072, 0], sizes = [256, 256], strides = [1, 1]} : vector<4096x256xf32> to vector<256x256xf32>
    %max3A_70 = arith.maximumf %max3A_68, %slice3A_69 : vector<256x256xf32>
    %slice3A_71 = vector.extract_strided_slice %select_n3A {offsets = [3328, 0], sizes = [256, 256], strides = [1, 1]} : vector<4096x256xf32> to vector<256x256xf32>
    %max3A_72 = arith.maximumf %max3A_70, %slice3A_71 : vector<256x256xf32>
    %slice3A_73 = vector.extract_strided_slice %select_n3A {offsets = [3584, 0], sizes = [256, 256], strides = [1, 1]} : vector<4096x256xf32> to vector<256x256xf32>
    %max3A_74 = arith.maximumf %max3A_72, %slice3A_73 : vector<256x256xf32>
    %slice3A_75 = vector.extract_strided_slice %select_n3A {offsets = [3840, 0], sizes = [256, 256], strides = [1, 1]} : vector<4096x256xf32> to vector<256x256xf32>
    %max3A_76 = arith.maximumf %max3A_74, %slice3A_75 : vector<256x256xf32>
    %eq3A = arith.constant 0 : i32
    %eq3A_77 = arith.cmpi eq, %arg1, %eq3A : i32
    %convert_element_type3A = arith.extui %eq3A_77 : i1 to i32
    %cond3A = arith.constant 0 : i32
    %cond3A_78 = arith.cmpi ne, %convert_element_type3A, %cond3A : i32
    scf.if %cond3A_78 {
      %swap3A = arith.constant 0 : index
      %swap3A_89 = arith.constant 0 : index
      %swap3A_90 = arith.constant 0 : index
      %swap3A_91 = vector.load %arg10[%swap3A, %swap3A_89, %swap3A_90] : memref<1x256x256xf32, #tpu.memory_space<vmem>>, vector<1x256x256xf32>
      %swap3A_92 = vector.shape_cast %swap3A_91 : vector<1x256x256xf32> to vector<256x256xf32>
      %swap3A_93 = vector.shape_cast %max3A_76 : vector<256x256xf32> to vector<1x256x256xf32>
      tpu.vector_store %arg10[%swap3A, %swap3A_89, %swap3A_90], %swap3A_93 {strides = array<i32>} : memref<1x256x256xf32, #tpu.memory_space<vmem>>, vector<1x256x256xf32>,
    } else {
    }
    %gt3A_79 = arith.constant 0 : i32
    %gt3A_80 = arith.cmpi sgt, %arg1, %gt3A_79 : i32
    %convert_element_type3A_81 = arith.extui %gt3A_80 : i1 to i32
    %cond3A_82 = arith.constant 0 : i32
    %cond3A_83 = arith.cmpi ne, %convert_element_type3A_81, %cond3A_82 : i32
    scf.if %cond3A_83 {
      %get3A_89 = arith.constant 0 : index
      %get3A_90 = arith.constant 0 : index
      %get3A_91 = arith.constant 0 : index
      %get3A_92 = vector.load %arg10[%get3A_89, %get3A_90, %get3A_91] : memref<1x256x256xf32, #tpu.memory_space<vmem>>, vector<1x256x256xf32>
      %get3A_93 = vector.shape_cast %get3A_92 : vector<1x256x256xf32> to vector<256x256xf32>
      %max3A_94 = arith.maximumf %get3A_93, %max3A_76 : vector<256x256xf32>
      %swap3A = arith.constant 0 : index
      %swap3A_95 = arith.constant 0 : index
      %swap3A_96 = arith.constant 0 : index
      %swap3A_97 = vector.load %arg10[%swap3A, %swap3A_95, %swap3A_96] : memref<1x256x256xf32, #tpu.memory_space<vmem>>, vector<1x256x256xf32>
      %swap3A_98 = vector.shape_cast %swap3A_97 : vector<1x256x256xf32> to vector<256x256xf32>
      %swap3A_99 = vector.shape_cast %max3A_94 : vector<256x256xf32> to vector<1x256x256xf32>
      tpu.vector_store %arg10[%swap3A, %swap3A_95, %swap3A_96], %swap3A_99 {strides = array<i32>} : memref<1x256x256xf32, #tpu.memory_space<vmem>>, vector<1x256x256xf32>,
    } else {
    }
    %eq3A_84 = arith.constant 3 : i32
    %eq3A_85 = arith.cmpi eq, %arg1, %eq3A_84 : i32
    %convert_element_type3A_86 = arith.extui %eq3A_85 : i1 to i32
    %cond3A_87 = arith.constant 0 : i32
    %cond3A_88 = arith.cmpi ne, %convert_element_type3A_86, %cond3A_87 : i32
    scf.if %cond3A_88 {
      %get3A_89 = arith.constant 0 : index
      %get3A_90 = arith.constant 0 : index
      %get3A_91 = arith.constant 0 : index
      %get3A_92 = vector.load %arg10[%get3A_89, %get3A_90, %get3A_91] : memref<1x256x256xf32, #tpu.memory_space<vmem>>, vector<1x256x256xf32>
      %get3A_93 = vector.shape_cast %get3A_92 : vector<1x256x256xf32> to vector<256x256xf32>
      %eq3A_94 = arith.constant 0xFF800000 : f32
      %eq3A_95 = vector.broadcast %eq3A_94 : f32 to vector<256x256xf32>
      %eq3A_96 = arith.cmpf oeq, %get3A_93, %eq3A_95 : vector<256x256xf32>
      %jit3A_97 = arith.constant 0.000000e+00 : f32
      %broadcast_in_dim3A_98 = vector.broadcast %jit3A_97 : f32 to vector<256x256xf32>
      %select_n3A_99 = arith.select %eq3A_96, %broadcast_in_dim3A_98, %get3A_93 : vector<256x256xi1>, vector<256x256xf32>
      %swap3A = arith.constant 0 : index
      %swap3A_100 = arith.constant 0 : index
      %swap3A_101 = arith.constant 0 : index
      %swap3A_102 = vector.load %arg10[%swap3A, %swap3A_100, %swap3A_101] : memref<1x256x256xf32, #tpu.memory_space<vmem>>, vector<1x256x256xf32>
      %swap3A_103 = vector.shape_cast %swap3A_102 : vector<1x256x256xf32> to vector<256x256xf32>
      %swap3A_104 = vector.shape_cast %select_n3A_99 : vector<256x256xf32> to vector<1x256x256xf32>
      tpu.vector_store %arg10[%swap3A, %swap3A_100, %swap3A_101], %swap3A_104 {strides = array<i32>} : memref<1x256x256xf32, #tpu.memory_space<vmem>>, vector<1x256x256xf32>,
    } else {
    }
    return
  }
  func.func @transform_0(%arg0: i32, %arg1: i32) -> (i32, i32, i32) {
    %c0_i32 = arith.constant 0 : i32
    %c0_i32_0 = arith.constant 0 : i32
    return %arg0, %arg1, %c0_i32 : i32, i32, i32
  }
  func.func @transform_1(%arg0: i32, %arg1: i32) -> (i32, i32, i32) {
    %mul3A = arith.constant 4 : i32
    %mul3A_0 = arith.muli %arg0, %mul3A : i32
    %add3A = arith.addi %mul3A_0, %arg1 : i32
    %c0_i32 = arith.constant 0 : i32
    %c0_i32_1 = arith.constant 0 : i32
    %c0_i32_2 = arith.constant 0 : i32
    return %add3A, %c0_i32, %c0_i32_1 : i32, i32, i32
  }
  func.func @transform_2(%arg0: i32, %arg1: i32) -> (i32, i32) {
    %c0_i32 = arith.constant 0 : i32
    %c0_i32_0 = arith.constant 0 : i32
    %c0_i32_1 = arith.constant 0 : i32
    return %c0_i32, %c0_i32_0 : i32, i32
  }
  func.func @transform_3(%arg0: i32, %arg1: i32) -> i32 {
    %c0_i32 = arith.constant 0 : i32
    %c0_i32_0 = arith.constant 0 : i32
    return %c0_i32 : i32
  }
  func.func @transform_4(%arg0: i32, %arg1: i32) -> (i32, i32) {
    %c0_i32 = arith.constant 0 : i32
    %c0_i32_0 = arith.constant 0 : i32
    %c0_i32_1 = arith.constant 0 : i32
    return %c0_i32, %c0_i32_0 : i32, i32
  }
  func.func @transform_5(%arg0: i32, %arg1: i32) -> i32 {
    %c0_i32 = arith.constant 0 : i32
    %c0_i32_0 = arith.constant 0 : i32
    return %c0_i32 : i32
  }
  func.func @transform_6(%arg0: i32, %arg1: i32) -> (i32, i32) {
    %c0_i32 = arith.constant 0 : i32
    %c0_i32_0 = arith.constant 0 : i32
    %c0_i32_1 = arith.constant 0 : i32
    return %c0_i32, %c0_i32_0 : i32, i32
  }
  func.func @transform_7(%arg0: i32, %arg1: i32) -> i32 {
    %c0_i32 = arith.constant 0 : i32
    %c0_i32_0 = arith.constant 0 : i32
    return %c0_i32 : i32
  }
  func.func @transform_8(%arg0: i32, %arg1: i32) -> (i32, i32, i32) {
    %c0_i32 = arith.constant 0 : i32
    %c0_i32_0 = arith.constant 0 : i32
    %c0_i32_1 = arith.constant 0 : i32
    return %arg0, %c0_i32, %c0_i32_0 : i32, i32, i32
  }
}

module attributes {stable_mosaic.version = 14 : i64} {
  func.func @_tail_body(%arg0: memref<4096x259xf32, #tpu.memory_space<vmem>>, %arg1: memref<259x256xf32, #tpu.memory_space<vmem>>, %arg2: memref<256xf32, #tpu.memory_space<vmem>>, %arg3: memref<256x512xf32, #tpu.memory_space<vmem>>, %arg4: memref<512xf32, #tpu.memory_space<vmem>>, %arg5: memref<512x1024xf32, #tpu.memory_space<vmem>>, %arg6: memref<1024xf32, #tpu.memory_space<vmem>>, %arg7: memref<1024x512xf32, #tpu.memory_space<vmem>>, %arg8: memref<512xf32, #tpu.memory_space<vmem>>, %arg9: memref<512x256xf32, #tpu.memory_space<vmem>>, %arg10: memref<256xf32, #tpu.memory_space<vmem>>, %arg11: memref<256x7xf32, #tpu.memory_space<vmem>>, %arg12: memref<7xf32, #tpu.memory_space<vmem>>, %arg13: memref<16x7xf32, #tpu.memory_space<vmem>>) attributes {dimension_semantics = [], scalar_prefetch = 0 : i64, scratch_operands = 0 : i64, tpu.core_type = #tpu.core_type<tc>} {
    %get3A = arith.constant 0 : index
    %get3A_0 = arith.constant 0 : index
    %get3A_1 = vector.load %arg0[%get3A, %get3A_0] : memref<4096x259xf32, #tpu.memory_space<vmem>>, vector<4096x259xf32>
    %get3A_2 = arith.constant 0 : index
    %get3A_3 = arith.constant 0 : index
    %get3A_4 = vector.load %arg1[%get3A_2, %get3A_3] : memref<259x256xf32, #tpu.memory_space<vmem>>, vector<259x256xf32>
    %dot_general3A = arith.constant dense<0.000000e+00> : vector<4096x256xf32>
    %dot_general3A_5 = tpu.matmul %get3A_1, %get3A_4, %dot_general3A {dimension_numbers = #tpu.dot_dimension_numbers<[1], [0], [0], [1], [0, 0, 1, 1], [], []>, transpose_lhs_hint = false} : vector<4096x259xf32>, vector<259x256xf32>, vector<4096x256xf32> -> vector<4096x256xf32>
    %get3A_6 = arith.constant 0 : index
    %get3A_7 = vector.load %arg2[%get3A_6] : memref<256xf32, #tpu.memory_space<vmem>>, vector<256xf32>
    %broadcast_in_dim3A = vector.shape_cast %get3A_7 : vector<256xf32> to vector<1x256xf32>
    %add3A = vector.broadcast %broadcast_in_dim3A : vector<1x256xf32> to vector<4096x256xf32>
    %add3A_8 = arith.addf %dot_general3A_5, %add3A : vector<4096x256xf32>
    %max3A = arith.constant 0.000000e+00 : f32
    %max3A_9 = vector.broadcast %max3A : f32 to vector<4096x256xf32>
    %max3A_10 = arith.maximumf %add3A_8, %max3A_9 : vector<4096x256xf32>
    %get3A_11 = arith.constant 0 : index
    %get3A_12 = arith.constant 0 : index
    %get3A_13 = vector.load %arg3[%get3A_11, %get3A_12] : memref<256x512xf32, #tpu.memory_space<vmem>>, vector<256x512xf32>
    %dot_general3A_14 = arith.constant dense<0.000000e+00> : vector<4096x512xf32>
    %dot_general3A_15 = tpu.matmul %max3A_10, %get3A_13, %dot_general3A_14 {dimension_numbers = #tpu.dot_dimension_numbers<[1], [0], [0], [1], [0, 0, 1, 1], [], []>, transpose_lhs_hint = false} : vector<4096x256xf32>, vector<256x512xf32>, vector<4096x512xf32> -> vector<4096x512xf32>
    %get3A_16 = arith.constant 0 : index
    %get3A_17 = vector.load %arg4[%get3A_16] : memref<512xf32, #tpu.memory_space<vmem>>, vector<512xf32>
    %broadcast_in_dim3A_18 = vector.shape_cast %get3A_17 : vector<512xf32> to vector<1x512xf32>
    %add3A_19 = vector.broadcast %broadcast_in_dim3A_18 : vector<1x512xf32> to vector<4096x512xf32>
    %add3A_20 = arith.addf %dot_general3A_15, %add3A_19 : vector<4096x512xf32>
    %max3A_21 = arith.constant 0.000000e+00 : f32
    %max3A_22 = vector.broadcast %max3A_21 : f32 to vector<4096x512xf32>
    %max3A_23 = arith.maximumf %add3A_20, %max3A_22 : vector<4096x512xf32>
    %get3A_24 = arith.constant 0 : index
    %get3A_25 = arith.constant 0 : index
    %get3A_26 = vector.load %arg5[%get3A_24, %get3A_25] : memref<512x1024xf32, #tpu.memory_space<vmem>>, vector<512x1024xf32>
    %dot_general3A_27 = arith.constant dense<0.000000e+00> : vector<4096x1024xf32>
    %dot_general3A_28 = tpu.matmul %max3A_23, %get3A_26, %dot_general3A_27 {dimension_numbers = #tpu.dot_dimension_numbers<[1], [0], [0], [1], [0, 0, 1, 1], [], []>, transpose_lhs_hint = false} : vector<4096x512xf32>, vector<512x1024xf32>, vector<4096x1024xf32> -> vector<4096x1024xf32>
    %get3A_29 = arith.constant 0 : index
    %get3A_30 = vector.load %arg6[%get3A_29] : memref<1024xf32, #tpu.memory_space<vmem>>, vector<1024xf32>
    %broadcast_in_dim3A_31 = vector.shape_cast %get3A_30 : vector<1024xf32> to vector<1x1024xf32>
    %add3A_32 = vector.broadcast %broadcast_in_dim3A_31 : vector<1x1024xf32> to vector<4096x1024xf32>
    %add3A_33 = arith.addf %dot_general3A_28, %add3A_32 : vector<4096x1024xf32>
    %slice3A = vector.extract_strided_slice %add3A_33 {offsets = [0, 0], sizes = [256, 1024], strides = [1, 1]} : vector<4096x1024xf32> to vector<256x1024xf32>
    %reduce_max3A = arith.constant dense<0xFF800000> : vector<1024xf32>
    %reduce_max3A_34 = vector.multi_reduction <maximumf>, %slice3A, %reduce_max3A [0] : vector<256x1024xf32> to vector<1024xf32>
    %broadcast_in_dim3A_35 = vector.shape_cast %reduce_max3A_34 : vector<1024xf32> to vector<1x1024xf32>
    %slice3A_36 = vector.extract_strided_slice %add3A_33 {offsets = [256, 0], sizes = [256, 1024], strides = [1, 1]} : vector<4096x1024xf32> to vector<256x1024xf32>
    %reduce_max3A_37 = arith.constant dense<0xFF800000> : vector<1024xf32>
    %reduce_max3A_38 = vector.multi_reduction <maximumf>, %slice3A_36, %reduce_max3A_37 [0] : vector<256x1024xf32> to vector<1024xf32>
    %broadcast_in_dim3A_39 = vector.shape_cast %reduce_max3A_38 : vector<1024xf32> to vector<1x1024xf32>
    %slice3A_40 = vector.extract_strided_slice %add3A_33 {offsets = [512, 0], sizes = [256, 1024], strides = [1, 1]} : vector<4096x1024xf32> to vector<256x1024xf32>
    %reduce_max3A_41 = arith.constant dense<0xFF800000> : vector<1024xf32>
    %reduce_max3A_42 = vector.multi_reduction <maximumf>, %slice3A_40, %reduce_max3A_41 [0] : vector<256x1024xf32> to vector<1024xf32>
    %broadcast_in_dim3A_43 = vector.shape_cast %reduce_max3A_42 : vector<1024xf32> to vector<1x1024xf32>
    %slice3A_44 = vector.extract_strided_slice %add3A_33 {offsets = [768, 0], sizes = [256, 1024], strides = [1, 1]} : vector<4096x1024xf32> to vector<256x1024xf32>
    %reduce_max3A_45 = arith.constant dense<0xFF800000> : vector<1024xf32>
    %reduce_max3A_46 = vector.multi_reduction <maximumf>, %slice3A_44, %reduce_max3A_45 [0] : vector<256x1024xf32> to vector<1024xf32>
    %broadcast_in_dim3A_47 = vector.shape_cast %reduce_max3A_46 : vector<1024xf32> to vector<1x1024xf32>
    %slice3A_48 = vector.extract_strided_slice %add3A_33 {offsets = [1024, 0], sizes = [256, 1024], strides = [1, 1]} : vector<4096x1024xf32> to vector<256x1024xf32>
    %reduce_max3A_49 = arith.constant dense<0xFF800000> : vector<1024xf32>
    %reduce_max3A_50 = vector.multi_reduction <maximumf>, %slice3A_48, %reduce_max3A_49 [0] : vector<256x1024xf32> to vector<1024xf32>
    %broadcast_in_dim3A_51 = vector.shape_cast %reduce_max3A_50 : vector<1024xf32> to vector<1x1024xf32>
    %slice3A_52 = vector.extract_strided_slice %add3A_33 {offsets = [1280, 0], sizes = [256, 1024], strides = [1, 1]} : vector<4096x1024xf32> to vector<256x1024xf32>
    %reduce_max3A_53 = arith.constant dense<0xFF800000> : vector<1024xf32>
    %reduce_max3A_54 = vector.multi_reduction <maximumf>, %slice3A_52, %reduce_max3A_53 [0] : vector<256x1024xf32> to vector<1024xf32>
    %broadcast_in_dim3A_55 = vector.shape_cast %reduce_max3A_54 : vector<1024xf32> to vector<1x1024xf32>
    %slice3A_56 = vector.extract_strided_slice %add3A_33 {offsets = [1536, 0], sizes = [256, 1024], strides = [1, 1]} : vector<4096x1024xf32> to vector<256x1024xf32>
    %reduce_max3A_57 = arith.constant dense<0xFF800000> : vector<1024xf32>
    %reduce_max3A_58 = vector.multi_reduction <maximumf>, %slice3A_56, %reduce_max3A_57 [0] : vector<256x1024xf32> to vector<1024xf32>
    %broadcast_in_dim3A_59 = vector.shape_cast %reduce_max3A_58 : vector<1024xf32> to vector<1x1024xf32>
    %slice3A_60 = vector.extract_strided_slice %add3A_33 {offsets = [1792, 0], sizes = [256, 1024], strides = [1, 1]} : vector<4096x1024xf32> to vector<256x1024xf32>
    %reduce_max3A_61 = arith.constant dense<0xFF800000> : vector<1024xf32>
    %reduce_max3A_62 = vector.multi_reduction <maximumf>, %slice3A_60, %reduce_max3A_61 [0] : vector<256x1024xf32> to vector<1024xf32>
    %broadcast_in_dim3A_63 = vector.shape_cast %reduce_max3A_62 : vector<1024xf32> to vector<1x1024xf32>
    %slice3A_64 = vector.extract_strided_slice %add3A_33 {offsets = [2048, 0], sizes = [256, 1024], strides = [1, 1]} : vector<4096x1024xf32> to vector<256x1024xf32>
    %reduce_max3A_65 = arith.constant dense<0xFF800000> : vector<1024xf32>
    %reduce_max3A_66 = vector.multi_reduction <maximumf>, %slice3A_64, %reduce_max3A_65 [0] : vector<256x1024xf32> to vector<1024xf32>
    %broadcast_in_dim3A_67 = vector.shape_cast %reduce_max3A_66 : vector<1024xf32> to vector<1x1024xf32>
    %slice3A_68 = vector.extract_strided_slice %add3A_33 {offsets = [2304, 0], sizes = [256, 1024], strides = [1, 1]} : vector<4096x1024xf32> to vector<256x1024xf32>
    %reduce_max3A_69 = arith.constant dense<0xFF800000> : vector<1024xf32>
    %reduce_max3A_70 = vector.multi_reduction <maximumf>, %slice3A_68, %reduce_max3A_69 [0] : vector<256x1024xf32> to vector<1024xf32>
    %broadcast_in_dim3A_71 = vector.shape_cast %reduce_max3A_70 : vector<1024xf32> to vector<1x1024xf32>
    %slice3A_72 = vector.extract_strided_slice %add3A_33 {offsets = [2560, 0], sizes = [256, 1024], strides = [1, 1]} : vector<4096x1024xf32> to vector<256x1024xf32>
    %reduce_max3A_73 = arith.constant dense<0xFF800000> : vector<1024xf32>
    %reduce_max3A_74 = vector.multi_reduction <maximumf>, %slice3A_72, %reduce_max3A_73 [0] : vector<256x1024xf32> to vector<1024xf32>
    %broadcast_in_dim3A_75 = vector.shape_cast %reduce_max3A_74 : vector<1024xf32> to vector<1x1024xf32>
    %slice3A_76 = vector.extract_strided_slice %add3A_33 {offsets = [2816, 0], sizes = [256, 1024], strides = [1, 1]} : vector<4096x1024xf32> to vector<256x1024xf32>
    %reduce_max3A_77 = arith.constant dense<0xFF800000> : vector<1024xf32>
    %reduce_max3A_78 = vector.multi_reduction <maximumf>, %slice3A_76, %reduce_max3A_77 [0] : vector<256x1024xf32> to vector<1024xf32>
    %broadcast_in_dim3A_79 = vector.shape_cast %reduce_max3A_78 : vector<1024xf32> to vector<1x1024xf32>
    %slice3A_80 = vector.extract_strided_slice %add3A_33 {offsets = [3072, 0], sizes = [256, 1024], strides = [1, 1]} : vector<4096x1024xf32> to vector<256x1024xf32>
    %reduce_max3A_81 = arith.constant dense<0xFF800000> : vector<1024xf32>
    %reduce_max3A_82 = vector.multi_reduction <maximumf>, %slice3A_80, %reduce_max3A_81 [0] : vector<256x1024xf32> to vector<1024xf32>
    %broadcast_in_dim3A_83 = vector.shape_cast %reduce_max3A_82 : vector<1024xf32> to vector<1x1024xf32>
    %slice3A_84 = vector.extract_strided_slice %add3A_33 {offsets = [3328, 0], sizes = [256, 1024], strides = [1, 1]} : vector<4096x1024xf32> to vector<256x1024xf32>
    %reduce_max3A_85 = arith.constant dense<0xFF800000> : vector<1024xf32>
    %reduce_max3A_86 = vector.multi_reduction <maximumf>, %slice3A_84, %reduce_max3A_85 [0] : vector<256x1024xf32> to vector<1024xf32>
    %broadcast_in_dim3A_87 = vector.shape_cast %reduce_max3A_86 : vector<1024xf32> to vector<1x1024xf32>
    %slice3A_88 = vector.extract_strided_slice %add3A_33 {offsets = [3584, 0], sizes = [256, 1024], strides = [1, 1]} : vector<4096x1024xf32> to vector<256x1024xf32>
    %reduce_max3A_89 = arith.constant dense<0xFF800000> : vector<1024xf32>
    %reduce_max3A_90 = vector.multi_reduction <maximumf>, %slice3A_88, %reduce_max3A_89 [0] : vector<256x1024xf32> to vector<1024xf32>
    %broadcast_in_dim3A_91 = vector.shape_cast %reduce_max3A_90 : vector<1024xf32> to vector<1x1024xf32>
    %slice3A_92 = vector.extract_strided_slice %add3A_33 {offsets = [3840, 0], sizes = [256, 1024], strides = [1, 1]} : vector<4096x1024xf32> to vector<256x1024xf32>
    %reduce_max3A_93 = arith.constant dense<0xFF800000> : vector<1024xf32>
    %reduce_max3A_94 = vector.multi_reduction <maximumf>, %slice3A_92, %reduce_max3A_93 [0] : vector<256x1024xf32> to vector<1024xf32>
    %broadcast_in_dim3A_95 = vector.shape_cast %reduce_max3A_94 : vector<1024xf32> to vector<1x1024xf32>
    %concatenate3A = tpu.concatenate %broadcast_in_dim3A_35, %broadcast_in_dim3A_39, %broadcast_in_dim3A_43, %broadcast_in_dim3A_47, %broadcast_in_dim3A_51, %broadcast_in_dim3A_55, %broadcast_in_dim3A_59, %broadcast_in_dim3A_63, %broadcast_in_dim3A_67, %broadcast_in_dim3A_71, %broadcast_in_dim3A_75, %broadcast_in_dim3A_79, %broadcast_in_dim3A_83, %broadcast_in_dim3A_87, %broadcast_in_dim3A_91, %broadcast_in_dim3A_95 in 0 : vector<1x1024xf32>, vector<1x1024xf32>, vector<1x1024xf32>, vector<1x1024xf32>, vector<1x1024xf32>, vector<1x1024xf32>, vector<1x1024xf32>, vector<1x1024xf32>, vector<1x1024xf32>, vector<1x1024xf32>, vector<1x1024xf32>, vector<1x1024xf32>, vector<1x1024xf32>, vector<1x1024xf32>, vector<1x1024xf32>, vector<1x1024xf32> -> vector<16x1024xf32>
    %get3A_96 = arith.constant 0 : index
    %get3A_97 = arith.constant 0 : index
    %get3A_98 = vector.load %arg7[%get3A_96, %get3A_97] : memref<1024x512xf32, #tpu.memory_space<vmem>>, vector<1024x512xf32>
    %dot_general3A_99 = arith.constant dense<0.000000e+00> : vector<16x512xf32>
    %dot_general3A_100 = tpu.matmul %concatenate3A, %get3A_98, %dot_general3A_99 {dimension_numbers = #tpu.dot_dimension_numbers<[1], [0], [0], [1], [0, 0, 1, 1], [], []>, transpose_lhs_hint = false} : vector<16x1024xf32>, vector<1024x512xf32>, vector<16x512xf32> -> vector<16x512xf32>
    %get3A_101 = arith.constant 0 : index
    %get3A_102 = vector.load %arg8[%get3A_101] : memref<512xf32, #tpu.memory_space<vmem>>, vector<512xf32>
    %broadcast_in_dim3A_103 = vector.shape_cast %get3A_102 : vector<512xf32> to vector<1x512xf32>
    %add3A_104 = vector.broadcast %broadcast_in_dim3A_103 : vector<1x512xf32> to vector<16x512xf32>
    %add3A_105 = arith.addf %dot_general3A_100, %add3A_104 : vector<16x512xf32>
    %max3A_106 = arith.constant 0.000000e+00 : f32
    %max3A_107 = vector.broadcast %max3A_106 : f32 to vector<16x512xf32>
    %max3A_108 = arith.maximumf %add3A_105, %max3A_107 : vector<16x512xf32>
    %get3A_109 = arith.constant 0 : index
    %get3A_110 = arith.constant 0 : index
    %get3A_111 = vector.load %arg9[%get3A_109, %get3A_110] : memref<512x256xf32, #tpu.memory_space<vmem>>, vector<512x256xf32>
    %dot_general3A_112 = arith.constant dense<0.000000e+00> : vector<16x256xf32>
    %dot_general3A_113 = tpu.matmul %max3A_108, %get3A_111, %dot_general3A_112 {dimension_numbers = #tpu.dot_dimension_numbers<[1], [0], [0], [1], [0, 0, 1, 1], [], []>, transpose_lhs_hint = false} : vector<16x512xf32>, vector<512x256xf32>, vector<16x256xf32> -> vector<16x256xf32>
    %get3A_114 = arith.constant 0 : index
    %get3A_115 = vector.load %arg10[%get3A_114] : memref<256xf32, #tpu.memory_space<vmem>>, vector<256xf32>
    %broadcast_in_dim3A_116 = vector.shape_cast %get3A_115 : vector<256xf32> to vector<1x256xf32>
    %add3A_117 = vector.broadcast %broadcast_in_dim3A_116 : vector<1x256xf32> to vector<16x256xf32>
    %add3A_118 = arith.addf %dot_general3A_113, %add3A_117 : vector<16x256xf32>
    %max3A_119 = arith.constant 0.000000e+00 : f32
    %max3A_120 = vector.broadcast %max3A_119 : f32 to vector<16x256xf32>
    %max3A_121 = arith.maximumf %add3A_118, %max3A_120 : vector<16x256xf32>
    %get3A_122 = arith.constant 0 : index
    %get3A_123 = arith.constant 0 : index
    %get3A_124 = vector.load %arg11[%get3A_122, %get3A_123] : memref<256x7xf32, #tpu.memory_space<vmem>>, vector<256x7xf32>
    %dot_general3A_125 = arith.constant dense<0.000000e+00> : vector<16x7xf32>
    %dot_general3A_126 = tpu.matmul %max3A_121, %get3A_124, %dot_general3A_125 {dimension_numbers = #tpu.dot_dimension_numbers<[1], [0], [0], [1], [0, 0, 1, 1], [], []>, transpose_lhs_hint = false} : vector<16x256xf32>, vector<256x7xf32>, vector<16x7xf32> -> vector<16x7xf32>
    %get3A_127 = arith.constant 0 : index
    %get3A_128 = vector.load %arg12[%get3A_127] : memref<7xf32, #tpu.memory_space<vmem>>, vector<7xf32>
    %broadcast_in_dim3A_129 = vector.shape_cast %get3A_128 : vector<7xf32> to vector<1x7xf32>
    %add3A_130 = vector.broadcast %broadcast_in_dim3A_129 : vector<1x7xf32> to vector<16x7xf32>
    %add3A_131 = arith.addf %dot_general3A_126, %add3A_130 : vector<16x7xf32>
    %swap3A = arith.constant 0 : index
    %swap3A_132 = arith.constant 0 : index
    %swap3A_133 = vector.load %arg13[%swap3A, %swap3A_132] : memref<16x7xf32, #tpu.memory_space<vmem>>, vector<16x7xf32>
    tpu.vector_store %arg13[%swap3A, %swap3A_132], %add3A_131 {strides = array<i32>} : memref<16x7xf32, #tpu.memory_space<vmem>>, vector<16x7xf32>,
    return
  }
}

</mosaic_0001>

<sc_bundles>
// kernel: sparse-core-data-format-call.cloned.1.call-start
scs
called_computation_lowered:
.L_overlay_start_0:
0x0: {  	s1 =	sld [smem:$0x3FD9]  }
0x1: {  	s2 =	sld [smem:$0x3FFE];
	_ =	sdelay $0x1  }
0x2: {  	s3 =	srdreg.scid  }
0x3: {  	s0 =	sand.u32 $0x1, s3  }
0x4: {  	s17 =	sshll.u32 s0, $0xA;
	s1 =	sadd.s32 s2, s1  }
0x5: {  	s1 =	sadd.s32 s1, s17  }
0x6: {  	[smem:$0x3FAE] =	sst s1  }
0x7: {  	_ = 	snop  }
0x8: {  	(tm) =	ssettm $0x1  }
0x9: {  	s18 =	sld [smem:$0x3FFB];
	_ =	sdelay $0x3  }
0xa: {  	_ =	strace s18  }
0xb: {  	s1 =	sld [smem:$0x3FFC];
	_ =	sdelay $0x3  }
0xc: {  	_ =	strace s1  }
0xd: {  	s1 =	sld [smem:$0x3FFD];
	_ =	sdelay $0x3  }
0xe: {  	_ =	strace s1  }
0xf: {  	_ =	strace $0x8FFFFFFF  }
0x10: {  	s19 =	sld [smem:$0x3FDB];
	_ =	sdelay $0x1  }
0x11: {  	s20 =	simm.s32 $_scs_section_size  }
0x12: {  	s4 =	simm.s32 $_size__tile_overlayer_lowered;
	s5 =	simm.s32 $_tile_overlayer_lowered  }
0x13: {  	s23 =	simm.s32 $0x1BFF;
	s22 =	sshll.u32 s5, $0x1;
	s1 =	sadd.s32 s20, s19  }
0x14: {  	s6 =	simm.s32 $0x0;
	s21 =	sshll.u32 s4, $0x1;
	s4 =	sadd.s32 s22, s1  }
0x15: {  	[timem:s6], [sflag:s23] =	dma.local [hbm:s4], s21  }
0x16: {  	_ =	swait.ge [sflag:s23], s21  }
0x17: {  	s2 =	ssub.s32 $0x0, s21;
	[sflag:s23] =	ssyncset.done $0x0  }
0x18: {  	[sflag:s23] =	ssyncadd.s32 s2;
	_ =	sdelay $0x1  }
0x19: {  	s24 =	simm.s32 $0x1B8B  }
0x1a: {  	_ =	swait.ge [sflag:s24], $0x1  }
0x1b: {  	[sflag:s24] =	ssyncset.done $0x0  }
0x1c: {  	s26 =	simm.s32 $0x1B8E;
	s25 =	sld [smem:$0x3FFE];
	[sflag:s24] =	ssyncadd.s32 $0xFFFFFFFF  }
0x1d: {  	s27 =	simm.s32 $execute0_lowered;
	[smem:$0x3FD2] =	sst s26  }
0x1e: {  	s4 =	sshll.u32 s27, $0x1;
	_ =	strace $0x80000046;
	[dreg:$0x1] =	wrdreg $0xFFFFFFFF  }
0x1f: {  	s28 =	simm.s32 $_size_execute0_lowered;
	s1 =	sadd.s32 s1, s4;
	[dreg:$0x0] =	wrdreg $0x0  }
0x20: {  	s4 =	sshll.u32 s28, $0x1;
	[dreg:$0x2] =	wrdreg s1  }
0x21: {  	[dreg:$0x3] =	wrdreg s4  }
0x22: {  	[dreg:$0x4] =	wrdreg $0xC0  }
0x23: {  	_ =	task [dreg:s6], $0x5FFFF  }
0x24: {  	[dreg:$0x1] =	wrdreg $0xFFFFFFFF  }
0x25: {  	[dreg:$0x0] =	wrdreg $0x60  }
0x26: {  	[dreg:$0x2] =	wrdreg s25  }
0x27: {  	[dreg:$0x3] =	wrdreg $0x9  }
0x28: {  	_ =	task.clear_ibuf [dreg:s6], $0x4FFFF;
	_ =	strace $0x90000046  }
0x29: {  	s29 =	simm.s32 $0x9;
	_ =	strace $0x80000048  }
0x2a: {  	_ =	swait.ge [sflag:s29], $0x1  }
0x2b: {  	[sflag:s29] =	ssyncadd.s32 $0xFFFFFFFF  }
0x2c: {  	_ =	strace $0x90000048  }
0x2d: {  	_ =	sfence  }
0x2e: {  	s30 =	sld [smem:$0x0];
	_ =	sdelay $0x2  }
0x2f: {  	s31 =	sshll.u32 s3, $0xD;
	s3 =	sshrl.u32 s3, $0x2  }
0x30: {  	s2 =	sand.u32 $0x4000, s31;
	s1 =	sadd.s32 s3, s30  }
0x31: {  	s0 =	sor.u32 s2, s0;
	s1 =	sshll.u32 s1, $0x11  }
0x32: {  	s0 =	sor.u32 s1, s0  }
0x33: {  	s0 =	sadd.s32 $0x8F2B, s0  }
0x34: {  	[sflag:s0] =	ssyncadd.remote.s32 $0x1  }
0x35: {  	_ =	sfence.sel $0xFFFF  }
0x36: {  	[dreg:$0x0] =	wrdreg $0xFFFFFFFF;
	(pc) =	sbr.abs _section_cstart, $3  }
0x37: {  	[dreg:$0x1] =	wrdreg $0xFFFFFFFF  }
0x38: {  	_ =	task.clear_ibuf [dreg:s6], $0x2FFFF;
	_ =	strace $0x9FFFFFFF  }
0x39: {  	(tm) =	ssettm $0x7FFFFFFF  }
tec
execute0_lowered:
.L_overlay_start_1:
0x0: {  	(tag) =	ssettag $0x1  }
0x1: {  	s0 =	srdreg.scid;
	s3 =	rddreg [dreg:$0x0];
	s5 =	simm.s32 $0x1  }
0x2: {  	s7 =	simm.s32 $0x2;
	s15 =	simm.s32 $0x0;
	p0 =	por $0x0, $0x0  }
0x3: {  	s8 =	simm.s32 $0x2000;
	s13 =	simm.s32 $0x0;
	s1 =	sshll.u32 s0, $0x7  }
0x4: {  	s14 =	simm.s32 $0x0;
	s9 =	simm.s32 $0x0;
	s1 =	sand.u32 $0x80, s1  }
0x5: {  	s0 =	rddreg [dreg:$0x1];
	_ =	strace $0x80000047;
	s6 =	ssub.s32 $0x400, s1  }
.Ltmp0:
0x6: {  	s2 =	sadd.s32 $0x5A00, s3;
	s31 =	sshrl.u32 s6, $0x7;
	(pc) =	sbr.rel .LBB1_1-.Ltmp0, $4  }
0x7: {  	s4 =	sadd.s32 $0x405A00, s3;
	s6 =	sshrl.u32 s6, $0x8;
	s3 =	sand.u32 $0x1, s31  }
0x8: {  	s11 =	stileid.u32;
	[sflag:s5] =	ssyncpa.u1 $0x0;
	s6 =	sadd.s32 s6, s3  }
0x9: {  	s12 =	simm.s32 $0x0;
	[sflag:s7] =	ssyncpa.u1 $0x0;
	s6 =	sshll.u32 s6, $0x4  }
0xa: {  	s10 =	smov.u32 s1;
	s3 =	stileid.u32;
	s7 =	sor.u32 $0x1, s6  }
.LBB1_4:
0xb: {  	v5 =	vld [tilespmem:s19+$0xFFFFFFD0];
	[tilespmem:s18+$0x2040 ss:$0x81] =	vst.msk $0xffff, v1  }
0xc: {  	v58 =	vld [tilespmem:s19+$0xFFFFFFE0];
	[tilespmem:s18+$0x2850 ss:$0x81] =	vst.msk $0xffff, v2  }
0xd: {  	s20 =	sshra.s32 s20, $0x2;
	v59 =	vld [tilespmem:s19+$0xFFFFFFF0];
	[tilespmem:s18+$0x3060 ss:$0x81] =	vst.msk $0xffff, v3  }
0xe: {  	v60 =	vld [tilespmem:s19+$0x0];
	[tilespmem:s18+$0x0 ss:$0x81] =	vst.msk $0xffff, v0;
	s17 =	sadd.s32 s20, s17  }
0xf: {  	v61 =	vld [tilespmem:s19+$0x10];
	[tilespmem:s17+$0x3870 ss:$0x81] =	vst.msk $0xffff, v4  }
0x10: {  	v62 =	vld [tilespmem:s19+$0x20];
	s26 =	sshll.u32 s15, $0xA;
	s27 =	sshll.u32 s13, $0x3;
	[tilespmem:s17+$0x810 ss:$0x81] =	vst.msk $0xffff, v5  }
0x11: {  	v63 =	vld [tilespmem:s19+$0xFFFFFFC0];
	s29 =	sshll.u32 s15, $0x7;
	s30 =	sand.u32 $0x78, s13;
	s14 =	sshll.u32 s14, $0x12;
	[tilespmem:s17+$0x1020 ss:$0x81] =	vst.msk $0xffff, v58  }
0x12: {  	s18 =	sand.u32 $0x1FE000, s26;
	s28 =	sand.u32 $0x1FFC00, s27;
	s15 =	sand.u32 $0x380, s29;
	[tilespmem:s17+$0x1830 ss:$0x81] =	vst.msk $0xffff, v59  }
0x13: {  	s31 =	sand.u32 $0x7, s13;
	s18 =	sadd.s32 s28, s18;
	s15 =	sor.u32 s30, s15;
	[tilespmem:s17+$0x2040 ss:$0x81] =	vst.msk $0xffff, v60  }
0x14: {  	s14 =	sadd.s32 s4, s14;
	s18 =	sshrl.u32 s18, $0x3;
	s15 =	sshrl.u32 s15, $0x3;
	[tilespmem:s17+$0x2850 ss:$0x81] =	vst.msk $0xffff, v61  }
0x15: {  	s13 =	sshll.u32 s31, $0x12;
	s18 =	sand.u32 $0x3FF80, s18;
	s14 =	sadd.s32 s15, s14;
	[tilespmem:s17+$0x3060 ss:$0x81] =	vst.msk $0xffff, v62  }
0x16: {  	s13 =	sor.u32 $0x400, s13;
	[tilespmem:s17+$0x0 ss:$0x81] =	vst.msk $0xffff, v63;
	s14 =	sadd.s32 s18, s14  }
0x17: {  	[hbm4b:s14+s13] =	stream.strided.scatter [tilespmem:s16], [sflag:$0x2], $0x4000, s8, s13, $0x20;
	[tilespmem:$0x10100] =	vst v63  }
.LBB1_5:
0x18: {  	s16 =	sadd.s32 $0x80, s9  }
0x19: {  	s13 =	sadd.s32 $0x100, s10;
	s17 =	smov.u32 s10;
	p2 =	sgt.s32 s16, $0x7FF  }
0x1a: {  	s17 =	smov.u32 @p2 s13  }
0x1b: {  	s19 =	smov.u32 s11;
	s13 =	sadd.s32 $0x10, s11;
	p3 =	sgt.s32 s17, $0x3FF  }
0x1c: {  	s19 =	smov.u32 @p3 s13  }
0x1d: {  	s16 =	simm.s32 @p2 $0x0;
	p2 =	sgt.s32 s19, $0xF  }
0x1e: {  	p1 =	slt.u32 s12, $0x2;
	s19 =	smov.u32 @p2 s3;
	p2 =	sne.s32 s12, s7  }
.Ltmp1:
0x1f: {  	s18 =	simm.s32 @!p1 $0x2;
	(pc) =	sbr.rel @!p2 .LBB1_6-.Ltmp1, $4  }
0x20: {  	s15 =	smov.u32 s9;
	s14 =	smov.u32 s11;
	_ =	swait.ge @!p1 [sflag:s18], $0x4000  }
0x21: {  	p0 =	por !p0, !p0;
	[sflag:s18] =	ssyncset.done @!p1 $0x0;
	s9 =	smov.u32 s16  }
0x22: {  	s17 =	smov.u32 @p3 s1;
	s13 =	smov.u32 s10;
	[sflag:s18] =	ssyncadd.s32 @!p1 $0xFFFFC000  }
0x23: {  	s10 =	smov.u32 s17;
	s12 =	sadd.s32 $0x1, s12;
	s11 =	smov.u32 s19  }
.LBB1_1:
0x24: {  	p1 =	sge.u32 s12, s6;
	s31 =	sadd.s32 $0xFFFFFFFF, s12  }
0x25: {  	s16 =	sxor.u32 @!p1 $0xFFFFFFFF, s12;
	s17 =	sand.u32 @!p1 $0x78, s9;
	s18 =	sshll.u32 @!p1 s10, $0xB  }
0x26: {  	s19 =	sshll.u32 @!p1 s10, $0x7;
	s20 =	sshll.u32 @!p1 s9, $0x3;
	s16 =	sshll.u32 @!p1 s16, $0xE  }
0x27: {  	s18 =	sand.u32 @!p1 $0x1FC000, s18;
	s19 =	sand.u32 @!p1 $0x380, s19;
	s16 =	sand.u32 @!p1 $0x4000, s16  }
0x28: {  	s18 =	sadd.s32 @!p1 s18, s20;
	s20 =	sand.u32 @!p1 $0x400, s20;
	s17 =	sor.u32 @!p1 s19, s17  }
0x29: {  	s19 =	sshll.u32 @!p1 s11, $0x12;
	s17 =	sor.u32 @!p1 s20, s17;
	s18 =	sshrl.u32 @!p1 s18, $0x3  }
0x2a: {  	s19 =	sadd.s32 @!p1 s2, s19;
	s20 =	sand.u32 @!p1 $0x7, s9;
	s18 =	sand.u32 @!p1 $0x3FF00, s18  }
0x2b: {  	s17 =	sshrl.u32 @!p1 s17, $0x3;
	s18 =	sadd.s32 @!p1 s18, s19;
	s19 =	sshll.u32 @!p1 s20, $0x12  }
0x2c: {  	s17 =	sadd.s32 @!p1 s17, s18;
	s18 =	sor.u32 @!p1 $0x400, s19;
	s19 =	simm.s32 @!p1 $0x4000  }
0x2d: {  	[tilespmem:s16], [sflag:$0x1] =	stream.strided.gather @!p1 [hbm4b:s17+s18], $0x4000, s19, s18, $0x38;
	[tilespmem:$0x10100] =	vst v63  }
0x2e: {  	p1 =	sge.u32 s31, s6  }
.Ltmp2:
0x2f: {  	_ = 	snop;
	(pc) =	sbr.rel @p1 .LBB1_5-.Ltmp2, $1  }
0x30: {  	_ =	sdelay $0x3  }
0x31: {  	s16 =	simm.s32 $0x1  }
0x32: {  	_ =	swait.ge [sflag:s5], $0x4000;
	s16 =	simm.s32 @!p0 $0x0  }
0x33: {  	[sflag:s5] =	ssyncset.done $0x0;
	s17 =	sshll.u32 s16, $0xE  }
0x34: {  	[sflag:s5] =	ssyncadd.s32 $0xFFFFC000;
	s19 =	sor.u32 $0x40, s17  }
0x35: {  	s16 =	smul.u32 $0x10200, s16;
	v0 =	vld [tilespmem:s19+$0x30]  }
0x36: {  	v3 =	vld [tilespmem:s19+$0xFFFFFFD0]  }
0x37: {  	s16 =	sshrl.u32 s16, $0x2;
	v4 =	vld [tilespmem:s19+$0xFFFFFFE0]  }
0x38: {  	v5 =	vld [tilespmem:s19+$0xFFFFFFF0];
	s17 =	sor.u32 $0x8000, s16  }
0x39: {  	s31 =	sand.u32 $0x1, s12;
	v1 =	vld [tilespmem:s19+$0x0];
	s18 =	sadd.s32 $0x0, s17  }
0x3a: {  	v2 =	vld [tilespmem:s19+$0x10];
	s16 =	smul.u32 $0x10200, s31;
	[tilespmem:s18+$0x3870 ss:$0x81] =	vst.msk $0xffff, v0  }
0x3b: {  	[tilespmem:s18+$0x810 ss:$0x81] =	vst.msk $0xffff, v3;
	v3 =	vld [tilespmem:s19+$0x20]  }
0x3c: {  	s16 =	sshrl.u32 s16, $0x2;
	v0 =	vld [tilespmem:s19+$0xFFFFFFC0];
	[tilespmem:s18+$0x1020 ss:$0x81] =	vst.msk $0xffff, v4;
	s19 =	sadd.s32 $0x80, s19  }
0x3d: {  	s20 =	simm.s32 $0x4;
	s21 =	simm.s32 $0x8;
	s16 =	sor.u32 $0x8000, s16;
	[tilespmem:s18+$0x1830 ss:$0x81] =	vst.msk $0xffff, v5;
	v4 =	vld [tilespmem:s19+$0x30]  }
.LBB1_3:
0x3e: {  	p1 =	sne.s32 s21, $0x1FC;
	v5 =	vld [tilespmem:s19+$0xFFFFFFD0];
	[tilespmem:s18+$0x2040 ss:$0x81] =	vst.msk $0xffff, v1  }
0x3f: {  	v6 =	vld [tilespmem:s19+$0xFFFFFFE0];
	[tilespmem:s18+$0x2850 ss:$0x81] =	vst.msk $0xffff, v2  }
0x40: {  	s22 =	sshra.s32 s20, $0x2;
	s20 =	smov.u32 s21;
	v7 =	vld [tilespmem:s19+$0xFFFFFFF0];
	[tilespmem:s18+$0x3060 ss:$0x81] =	vst.msk $0xffff, v3  }
.Ltmp3:
0x41: {  	v1 =	vld [tilespmem:s19+$0x0];
	[tilespmem:s18+$0x0 ss:$0x81] =	vst.msk $0xffff, v0;
	s18 =	sadd.s32 s22, s17;
	(pc) =	sbr.rel @p1 .LBB1_3-.Ltmp3, $4  }
0x42: {  	v2 =	vld [tilespmem:s19+$0x10];
	[tilespmem:s18+$0x3870 ss:$0x81] =	vst.msk $0xffff, v4  }
0x43: {  	[tilespmem:s18+$0x810 ss:$0x81] =	vst.msk $0xffff, v5;
	v3 =	vld [tilespmem:s19+$0x20]  }
0x44: {  	v0 =	vld [tilespmem:s19+$0xFFFFFFC0];
	[tilespmem:s18+$0x1020 ss:$0x81] =	vst.msk $0xffff, v6;
	s19 =	sadd.s32 $0x80, s19  }
0x45: {  	s21 =	sadd.s32 $0x4, s21;
	v4 =	vld [tilespmem:s19+$0x30];
	[tilespmem:s18+$0x1830 ss:$0x81] =	vst.msk $0xffff, v7  }
.Ltmp4:
0x46: {  	_ = 	snop;
	(pc) =	sbr.rel .LBB1_4-.Ltmp4, $1  }
0x47: {  	_ =	sdelay $0x3  }
.LBB1_6:
0x48: {  	_ =	sfence.sel $0x180000  }
0x49: {  	s1 =	simm.s32 $0x1;
	[bflag:$0x0] =	sbarrier.arrive $0xFFFF  }
0x4a: {  	s31 =	simm.s32 $0x2;
	[sflag:s1] =	ssyncpa.u1 $0x1  }
0x4b: {  	[sflag:s31] =	ssyncpa.u1 $0x1  }
0x4c: {  	p0 =	sne.s32 s3, $0x0;
	_ =	strace $0x90000047  }
0x4d: {  	s0 =	sadd.s32 @!p0 $0x100000, s0;
	[bflag:$0x2] =	sbarrier.arrive $0xFFFF  }
0x4e: {  	[sflag:s0] =	ssyncadd.tile.s32 @!p0 $0x1;
	_ =	shalt  }
.Lfunc_end1:
_tile_overlayer_lowered:
.L_overlay_start_2:
0x4f: {  	(tag) =	ssettag $0x2  }
0x50: {  	s0 =	rddreg [dreg:$0x0];
	s2 =	stileid.u32  }
0x51: {  	s1 =	rddreg [dreg:$0x1];
	p0 =	sne.s32 s2, $0x0  }
0x52: {  	s3 =	rddreg [dreg:$0x2];
	[bflag:$0x3] =	sbarrier.arrive $0xFFFF;
	s2 =	simm.s32 @!p0 $0x1C01  }
0x53: {  	[timem:s3], [sflag:s2] =	dma.local @!p0 [hbm:s0], s1  }
0x54: {  	s0 =	simm.s32 @!p0 $0x1  }
0x55: {  	_ =	swait.ge @!p0 [sflag:s0], s1  }
0x56: {  	s1 =	ssub.s32 @!p0 $0x0, s1;
	[sflag:s0] =	ssyncset.done @!p0 $0x0  }
0x57: {  	[sflag:s0] =	ssyncadd.s32 @!p0 s1  }
0x58: {  	[bflag:$0x3] =	sbarrier.arrive $0xFFFF  }
0x59: {  	_ =	shalt  }

</sc_bundles>
